<compile_context>
chip_gen: v7x
topology: tpu7x:2x2x1
jax: 0.10.2.dev20260603
libtpu: 0.0.44.dev20260713+nightly
codegen_flags: <defaults>
</compile_context>

<pallas_src>
import jax
import jax.numpy as jnp
from jax import lax
from jax.experimental import pallas as pl
from jax.experimental.pallas import tpu as pltpu
from jax.experimental.pallas import tpu_sc as plsc

N = 2048
DIM = 768
E = 8
TOPK = 2
HID = 2048
S = N * TOPK
TM = 576
N_TILES = -(-(S + E * (TM - 1)) // TM)
S_PAD = N_TILES * TM

SC_CORES = 2
SC_SUBCORES = 16
NW = SC_CORES * SC_SUBCORES
TOK_CH = N // NW



def _sc_dispatch_body(x_hbm, post_hbm, out_hbm, rows_v, idx_v, sem):
    wid = lax.axis_index("s") * SC_CORES + lax.axis_index("c")
    tok0 = wid * TOK_CH
    pltpu.sync_copy(x_hbm.at[pl.ds(tok0, TOK_CH)], rows_v)
    pltpu.sync_copy(post_hbm.at[0, pl.ds(tok0, TOK_CH)], idx_v.at[0])
    pltpu.sync_copy(post_hbm.at[1, pl.ds(tok0, TOK_CH)], idx_v.at[1])
    a = pltpu.async_copy(rows_v, out_hbm.at[idx_v.at[0]], sem)
    b = pltpu.async_copy(rows_v, out_hbm.at[idx_v.at[1]], sem)
    a.wait()
    b.wait()


def _sc_dispatch(x_flat, pos_t):
    mesh = plsc.VectorSubcoreMesh(
        core_axis_name="c", subcore_axis_name="s",
        num_cores=SC_CORES, num_subcores=SC_SUBCORES)
    kern = pl.kernel(
        _sc_dispatch_body,
        out_type=jax.ShapeDtypeStruct((S_PAD, DIM), jnp.float32),
        mesh=mesh,
        scratch_types=[
            pltpu.VMEM((TOK_CH, DIM), jnp.float32),
            pltpu.VMEM((2, TOK_CH), jnp.int32),
            pltpu.SemaphoreType.DMA,
        ],
    )
    return kern(x_flat, pos_t)



def _moe_tile(te_ref, nact_ref, x_ref, w1_ref, w3_ref, w2_ref, y_ref):
    m = pl.program_id(0)

    @pl.when(m < nact_ref[0])
    def _():
        x = x_ref[...].astype(jnp.bfloat16)
        w1 = w1_ref[0].astype(jnp.bfloat16)
        w3 = w3_ref[0].astype(jnp.bfloat16)
        w2 = w2_ref[0].astype(jnp.bfloat16)
        dn = (((1,), (1,)), ((), ()))
        h1 = lax.dot_general(x, w1, dn, preferred_element_type=jnp.float32)
        h3 = lax.dot_general(x, w3, dn, preferred_element_type=jnp.float32)
        h = (h1 * jax.nn.sigmoid(h1)) * h3
        y_ref[...] = lax.dot_general(h.astype(jnp.bfloat16), w2, dn,
                                     preferred_element_type=jnp.float32)


def _grouped_ffn(x_sorted, W1, W3, W2, tile_expert, n_active):
    clamp = lambda m, na: jnp.minimum(m, na[0] - 1)
    grid_spec = pltpu.PrefetchScalarGridSpec(
        num_scalar_prefetch=2,
        grid=(N_TILES,),
        in_specs=[
            pl.BlockSpec((TM, DIM), lambda m, te, na: (clamp(m, na), 0)),
            pl.BlockSpec((1, HID, DIM), lambda m, te, na: (te[m], 0, 0)),
            pl.BlockSpec((1, HID, DIM), lambda m, te, na: (te[m], 0, 0)),
            pl.BlockSpec((1, DIM, HID), lambda m, te, na: (te[m], 0, 0)),
        ],
        out_specs=pl.BlockSpec((TM, DIM), lambda m, te, na: (clamp(m, na), 0)),
    )
    return pl.pallas_call(
        _moe_tile,
        grid_spec=grid_spec,
        out_shape=jax.ShapeDtypeStruct((S_PAD, DIM), jnp.float32),
        compiler_params=pltpu.CompilerParams(
            dimension_semantics=("arbitrary",),
            vmem_limit_bytes=100 * 1024 * 1024),
    )(tile_expert, n_active, x_sorted, W1, W3, W2)


def kernel(x, gate_w, W1, W2, W3):
    bsz, seqlen, dim = x.shape
    x_flat = x.reshape(-1, dim)

    gate_logits = x_flat @ gate_w.T
    lt = gate_logits.T
    eidx = jnp.arange(E, dtype=jnp.int32)
    e0 = jnp.argmax(lt, axis=0).astype(jnp.int32)
    v0 = jnp.max(lt, axis=0)
    masked = jnp.where(eidx[:, None] == e0[None, :], -jnp.inf, lt)
    e1 = jnp.argmax(masked, axis=0).astype(jnp.int32)
    v1 = jnp.max(masked, axis=0)
    z = jnp.exp(v1 - v0)
    w0 = 1.0 / (1.0 + z)
    w1r = z / (1.0 + z)

    ef = jnp.stack([e0, e1], axis=0)
    oh = (ef[None, :, :] == eidx[:, None, None]).astype(jnp.int32)
    cs = jnp.cumsum(oh.reshape(E, S), axis=1).reshape(E, TOPK, N)
    counts = cs.reshape(E, S)[:, -1]
    rank = jnp.sum(jnp.where(oh != 0, cs, 0), axis=0) - 1
    padded_counts = ((counts + TM - 1) // TM) * TM
    padded_offsets = jnp.concatenate(
        [jnp.zeros(1, jnp.int32),
         jnp.cumsum(padded_counts).astype(jnp.int32)])
    off = jnp.sum(jnp.where(oh != 0, padded_offsets[:E, None, None], 0), axis=0)
    pos_t = (off + rank).astype(jnp.int32)

    total_padded = padded_offsets[E]
    n_active = (total_padded // TM).astype(jnp.int32).reshape(1)
    tile_starts = jnp.arange(N_TILES, dtype=jnp.int32) * TM
    tile_expert = jnp.clip(
        jnp.sum(padded_offsets[1:E][None, :] <= tile_starts[:, None], axis=1),
        0, E - 1).astype(jnp.int32)
    tile_expert = jnp.where(tile_starts < total_padded, tile_expert,
                            tile_expert[jnp.maximum(n_active[0] - 1, 0)])

    x_sorted = _sc_dispatch(x_flat, pos_t)

    y = _grouped_ffn(x_sorted, W1, W3, W2, tile_expert, n_active)

    g = jnp.take(y, pos_t.reshape(-1), axis=0)
    out = w0[:, None] * g[:N] + w1r[:, None] * g[N:]
    return out.astype(x.dtype).reshape(bsz, seqlen, dim)

# --- scband reference (transcript-rebuilt; emitter-appended) ---
"""Pipeline reference for scband-mo-elayer-12610023981276 (READ-ONLY COPY).

The authoritative reference and input builder live on the scoring server;
editing this copy changes nothing except your own understanding.
"""

import jax, jax.numpy as jnp
import numpy as np

DIM = 768
E = 8
TOPK = 2
HID = int(2 * (4 * DIM) / 3)  # 2048, matches torch: int(2*hidden_dim/3) with hidden_dim=4*dim


def setup_inputs(seed: int = 0) -> dict:
    key = jax.random.key(seed)
    ks = jax.random.split(key, 5)
    x = jax.random.normal(ks[0], (1, 2048, DIM), dtype=jnp.float32)
    gate_w = jax.random.normal(ks[1], (E, DIM), dtype=jnp.float32) * 0.02
    W1 = jax.random.normal(ks[2], (E, HID, DIM), dtype=jnp.float32) * 0.02
    W2 = jax.random.normal(ks[3], (E, DIM, HID), dtype=jnp.float32) * 0.02
    W3 = jax.random.normal(ks[4], (E, HID, DIM), dtype=jnp.float32) * 0.02
    return {"x": x, "gate_w": gate_w, "W1": W1, "W2": W2, "W3": W3}


def reference(x, gate_w, W1, W2, W3):
    bsz, seqlen, dim = x.shape
    x_flat = x.reshape(-1, dim)
    # gating (Linear with no bias): logits = x @ gate_w.T
    gate_logits = x_flat @ gate_w.T
    routing_weights, selected_experts = jax.lax.top_k(gate_logits, TOPK)
    routing_weights = jax.nn.softmax(routing_weights.astype(jnp.float32), axis=-1).astype(x.dtype)
    # combined per-expert weight for each token: sum over top-k slots where expert i selected
    oh = jax.nn.one_hot(selected_experts, E, dtype=x.dtype)  # [N, k, E]
    cw = jnp.einsum('nk,nke->ne', routing_weights, oh)  # [N, E]
    results = jnp.zeros_like(x_flat)
    for i in range(E):
        h = jax.nn.silu(x_flat @ W1[i].T) * (x_flat @ W3[i].T)
        expert_out = h @ W2[i].T
        results = results + cw[:, i:i + 1] * expert_out
    return results.reshape(bsz, seqlen, dim)

if __name__ == "__main__":
    import jax
    _d = setup_inputs()
    print(jax.jit(kernel)(*tuple(_d.values())))

</pallas_src>

<mosaic_0001>
#map = affine_map<(d0, d1) -> (0, 0)>
module attributes {stable_mosaic.version = 14 : i64} {
  func.func @_sc_dispatch_body(%arg0: i32, %arg1: i32, %arg2: memref<2048x768xf32, #tpu.memory_space<hbm>>, %arg3: memref<2x2048xi32, #tpu.memory_space<hbm>>, %arg4: memref<9216x768xf32, #tpu.memory_space<hbm>>, %arg5: memref<64x768xf32, #tpu.memory_space<vmem>>, %arg6: memref<2x64xi32, #tpu.memory_space<vmem>>, %arg7: memref<!tpu.dma_semaphore, #tpu.memory_space<semaphore_mem>>) attributes {dimension_semantics = [#tpu.dimension_semantics<core_parallel>, #tpu.dimension_semantics<subcore_parallel>], iteration_bounds = array<i64: 2, 16>, scalar_prefetch = 0 : i64, scratch_operands = 3 : i64, tpu.core_type = #tpu.core_type<sc_vector_subcore>, window_params = [{transform_indices = #map}, {transform_indices = #map}, {transform_indices = #map}]} {
    %mul3A = arith.constant 2 : i32
    %mul3A_0 = arith.muli %arg1, %mul3A : i32
    %add3A = arith.addi %mul3A_0, %arg0 : i32
    %mul3A_1 = arith.constant 64 : i32
    %mul3A_2 = arith.muli %add3A, %mul3A_1 : i32
    "tpu.region"() ({
      %run_scoped3A_32 = tpu.sem_alloc : memref<!tpu.dma_semaphore, #tpu.memory_space<semaphore_mem>>
      %dma_start3A_33 = arith.constant 0 : i32
      %dma_start3A_34 = tpu.memref_slice %arg2[%mul3A_2, %dma_start3A_33] : memref<2048x768xf32, #tpu.memory_space<hbm>> -> memref<64x768xf32, #tpu.memory_space<hbm>>
      %dma_start3A_35 = arith.constant 0 : i32
      %dma_start3A_36 = tpu.memref_slice %arg2[%mul3A_2, %dma_start3A_35] : memref<2048x768xf32, #tpu.memory_space<hbm>> -> memref<64x768xf32, #tpu.memory_space<hbm>>
      tpu.enqueue_dma source(%dma_start3A_36 : memref<64x768xf32, #tpu.memory_space<hbm>>) target(%arg5 : memref<64x768xf32, #tpu.memory_space<vmem>>) target_semaphore(%run_scoped3A_32 : memref<!tpu.dma_semaphore, #tpu.memory_space<semaphore_mem>>)
      %dma_wait3A_37 = arith.constant 0 : i32
      %dma_wait3A_38 = tpu.memref_slice %arg2[%mul3A_2, %dma_wait3A_37] : memref<2048x768xf32, #tpu.memory_space<hbm>> -> memref<64x768xf32, #tpu.memory_space<hbm>>
      %dma_wait3A_39 = arith.constant 0 : i32
      %dma_wait3A_40 = tpu.memref_slice %arg2[%mul3A_2, %dma_wait3A_39] : memref<2048x768xf32, #tpu.memory_space<hbm>> -> memref<64x768xf32, #tpu.memory_space<hbm>>
      tpu.wait_dma2 semaphore(%run_scoped3A_32 : memref<!tpu.dma_semaphore, #tpu.memory_space<semaphore_mem>>) src(%dma_wait3A_40 : memref<64x768xf32, #tpu.memory_space<hbm>>) dst(%arg5 : memref<64x768xf32, #tpu.memory_space<vmem>>)
      tpu.yield
    }) : () -> ()
    %run_scoped3A = arith.constant 0 : i32
    %run_scoped3A_3 = arith.constant 0 : i32
    "tpu.region"() ({
      %run_scoped3A_32 = tpu.sem_alloc : memref<!tpu.dma_semaphore, #tpu.memory_space<semaphore_mem>>
      %dma_start3A_33 = arith.constant 0 : i32
      %dma_start3A_34 = tpu.memref_slice %arg6[%run_scoped3A_3, %dma_start3A_33] : memref<2x64xi32, #tpu.memory_space<vmem>> -> memref<1x64xi32, #tpu.memory_space<vmem>>
      %dma_start3A_35 = tpu.memref_squeeze %dma_start3A_34 : memref<1x64xi32, #tpu.memory_space<vmem>> -> memref<64xi32, #tpu.memory_space<vmem>>
      %dma_start3A_36 = tpu.memref_slice %arg3[%run_scoped3A, %mul3A_2] : memref<2x2048xi32, #tpu.memory_space<hbm>> -> memref<1x64xi32, #tpu.memory_space<hbm>>
      %dma_start3A_37 = tpu.memref_squeeze %dma_start3A_36 : memref<1x64xi32, #tpu.memory_space<hbm>> -> memref<64xi32, #tpu.memory_space<hbm>>
      %dma_start3A_38 = arith.constant 0 : i32
      %dma_start3A_39 = tpu.memref_slice %arg6[%run_scoped3A_3, %dma_start3A_38] : memref<2x64xi32, #tpu.memory_space<vmem>> -> memref<1x64xi32, #tpu.memory_space<vmem>>
      %dma_start3A_40 = tpu.memref_squeeze %dma_start3A_39 : memref<1x64xi32, #tpu.memory_space<vmem>> -> memref<64xi32, #tpu.memory_space<vmem>>
      %dma_start3A_41 = tpu.memref_slice %arg3[%run_scoped3A, %mul3A_2] : memref<2x2048xi32, #tpu.memory_space<hbm>> -> memref<1x64xi32, #tpu.memory_space<hbm>>
      %dma_start3A_42 = tpu.memref_squeeze %dma_start3A_41 : memref<1x64xi32, #tpu.memory_space<hbm>> -> memref<64xi32, #tpu.memory_space<hbm>>
      tpu.enqueue_dma source(%dma_start3A_42 : memref<64xi32, #tpu.memory_space<hbm>>) target(%dma_start3A_40 : memref<64xi32, #tpu.memory_space<vmem>>) target_semaphore(%run_scoped3A_32 : memref<!tpu.dma_semaphore, #tpu.memory_space<semaphore_mem>>)
      %dma_wait3A_43 = arith.constant 0 : i32
      %dma_wait3A_44 = tpu.memref_slice %arg6[%run_scoped3A_3, %dma_wait3A_43] : memref<2x64xi32, #tpu.memory_space<vmem>> -> memref<1x64xi32, #tpu.memory_space<vmem>>
      %dma_wait3A_45 = tpu.memref_squeeze %dma_wait3A_44 : memref<1x64xi32, #tpu.memory_space<vmem>> -> memref<64xi32, #tpu.memory_space<vmem>>
      %dma_wait3A_46 = tpu.memref_slice %arg3[%run_scoped3A, %mul3A_2] : memref<2x2048xi32, #tpu.memory_space<hbm>> -> memref<1x64xi32, #tpu.memory_space<hbm>>
      %dma_wait3A_47 = tpu.memref_squeeze %dma_wait3A_46 : memref<1x64xi32, #tpu.memory_space<hbm>> -> memref<64xi32, #tpu.memory_space<hbm>>
      %dma_wait3A_48 = arith.constant 0 : i32
      %dma_wait3A_49 = tpu.memref_slice %arg6[%run_scoped3A_3, %dma_wait3A_48] : memref<2x64xi32, #tpu.memory_space<vmem>> -> memref<1x64xi32, #tpu.memory_space<vmem>>
      %dma_wait3A_50 = tpu.memref_squeeze %dma_wait3A_49 : memref<1x64xi32, #tpu.memory_space<vmem>> -> memref<64xi32, #tpu.memory_space<vmem>>
      %dma_wait3A_51 = tpu.memref_slice %arg3[%run_scoped3A, %mul3A_2] : memref<2x2048xi32, #tpu.memory_space<hbm>> -> memref<1x64xi32, #tpu.memory_space<hbm>>
      %dma_wait3A_52 = tpu.memref_squeeze %dma_wait3A_51 : memref<1x64xi32, #tpu.memory_space<hbm>> -> memref<64xi32, #tpu.memory_space<hbm>>
      tpu.wait_dma2 semaphore(%run_scoped3A_32 : memref<!tpu.dma_semaphore, #tpu.memory_space<semaphore_mem>>) src(%dma_wait3A_52 : memref<64xi32, #tpu.memory_space<hbm>>) dst(%dma_wait3A_50 : memref<64xi32, #tpu.memory_space<vmem>>)
      tpu.yield
    }) : () -> ()
    %run_scoped3A_4 = arith.constant 1 : i32
    %run_scoped3A_5 = arith.constant 1 : i32
    "tpu.region"() ({
      %run_scoped3A_32 = tpu.sem_alloc : memref<!tpu.dma_semaphore, #tpu.memory_space<semaphore_mem>>
      %dma_start3A_33 = arith.constant 0 : i32
      %dma_start3A_34 = tpu.memref_slice %arg6[%run_scoped3A_5, %dma_start3A_33] : memref<2x64xi32, #tpu.memory_space<vmem>> -> memref<1x64xi32, #tpu.memory_space<vmem>>
      %dma_start3A_35 = tpu.memref_squeeze %dma_start3A_34 : memref<1x64xi32, #tpu.memory_space<vmem>> -> memref<64xi32, #tpu.memory_space<vmem>>
      %dma_start3A_36 = tpu.memref_slice %arg3[%run_scoped3A_4, %mul3A_2] : memref<2x2048xi32, #tpu.memory_space<hbm>> -> memref<1x64xi32, #tpu.memory_space<hbm>>
      %dma_start3A_37 = tpu.memref_squeeze %dma_start3A_36 : memref<1x64xi32, #tpu.memory_space<hbm>> -> memref<64xi32, #tpu.memory_space<hbm>>
      %dma_start3A_38 = arith.constant 0 : i32
      %dma_start3A_39 = tpu.memref_slice %arg6[%run_scoped3A_5, %dma_start3A_38] : memref<2x64xi32, #tpu.memory_space<vmem>> -> memref<1x64xi32, #tpu.memory_space<vmem>>
      %dma_start3A_40 = tpu.memref_squeeze %dma_start3A_39 : memref<1x64xi32, #tpu.memory_space<vmem>> -> memref<64xi32, #tpu.memory_space<vmem>>
      %dma_start3A_41 = tpu.memref_slice %arg3[%run_scoped3A_4, %mul3A_2] : memref<2x2048xi32, #tpu.memory_space<hbm>> -> memref<1x64xi32, #tpu.memory_space<hbm>>
      %dma_start3A_42 = tpu.memref_squeeze %dma_start3A_41 : memref<1x64xi32, #tpu.memory_space<hbm>> -> memref<64xi32, #tpu.memory_space<hbm>>
      tpu.enqueue_dma source(%dma_start3A_42 : memref<64xi32, #tpu.memory_space<hbm>>) target(%dma_start3A_40 : memref<64xi32, #tpu.memory_space<vmem>>) target_semaphore(%run_scoped3A_32 : memref<!tpu.dma_semaphore, #tpu.memory_space<semaphore_mem>>)
      %dma_wait3A_43 = arith.constant 0 : i32
      %dma_wait3A_44 = tpu.memref_slice %arg6[%run_scoped3A_5, %dma_wait3A_43] : memref<2x64xi32, #tpu.memory_space<vmem>> -> memref<1x64xi32, #tpu.memory_space<vmem>>
      %dma_wait3A_45 = tpu.memref_squeeze %dma_wait3A_44 : memref<1x64xi32, #tpu.memory_space<vmem>> -> memref<64xi32, #tpu.memory_space<vmem>>
      %dma_wait3A_46 = tpu.memref_slice %arg3[%run_scoped3A_4, %mul3A_2] : memref<2x2048xi32, #tpu.memory_space<hbm>> -> memref<1x64xi32, #tpu.memory_space<hbm>>
      %dma_wait3A_47 = tpu.memref_squeeze %dma_wait3A_46 : memref<1x64xi32, #tpu.memory_space<hbm>> -> memref<64xi32, #tpu.memory_space<hbm>>
      %dma_wait3A_48 = arith.constant 0 : i32
      %dma_wait3A_49 = tpu.memref_slice %arg6[%run_scoped3A_5, %dma_wait3A_48] : memref<2x64xi32, #tpu.memory_space<vmem>> -> memref<1x64xi32, #tpu.memory_space<vmem>>
      %dma_wait3A_50 = tpu.memref_squeeze %dma_wait3A_49 : memref<1x64xi32, #tpu.memory_space<vmem>> -> memref<64xi32, #tpu.memory_space<vmem>>
      %dma_wait3A_51 = tpu.memref_slice %arg3[%run_scoped3A_4, %mul3A_2] : memref<2x2048xi32, #tpu.memory_space<hbm>> -> memref<1x64xi32, #tpu.memory_space<hbm>>
      %dma_wait3A_52 = tpu.memref_squeeze %dma_wait3A_51 : memref<1x64xi32, #tpu.memory_space<hbm>> -> memref<64xi32, #tpu.memory_space<hbm>>
      tpu.wait_dma2 semaphore(%run_scoped3A_32 : memref<!tpu.dma_semaphore, #tpu.memory_space<semaphore_mem>>) src(%dma_wait3A_52 : memref<64xi32, #tpu.memory_space<hbm>>) dst(%dma_wait3A_50 : memref<64xi32, #tpu.memory_space<vmem>>)
      tpu.yield
    }) : () -> ()
    %dma_start3A = arith.constant 0 : i32
    %dma_start3A_6 = arith.constant 0 : i32
    %dma_start3A_7 = tpu.memref_slice %arg6[%dma_start3A, %dma_start3A_6] : memref<2x64xi32, #tpu.memory_space<vmem>> -> memref<1x64xi32, #tpu.memory_space<vmem>>
    %dma_start3A_8 = tpu.memref_squeeze %dma_start3A_7 : memref<1x64xi32, #tpu.memory_space<vmem>> -> memref<64xi32, #tpu.memory_space<vmem>>
    %dma_start3A_9 = arith.constant 0 : i32
    %dma_start3A_10 = arith.constant 0 : i32
    %dma_start3A_11 = tpu.memref_slice %arg4[%dma_start3A_9, %dma_start3A_10] : memref<9216x768xf32, #tpu.memory_space<hbm>> -> memref<9216x768xf32, #tpu.memory_space<hbm>>
    tpu.enqueue_indirect_dma source(%arg5 : memref<64x768xf32, #tpu.memory_space<vmem>>) target(%dma_start3A_11 : memref<9216x768xf32, #tpu.memory_space<hbm>>) offsets(%dma_start3A_8 : memref<64xi32, #tpu.memory_space<vmem>>) semaphore(%arg7 : memref<!tpu.dma_semaphore, #tpu.memory_space<semaphore_mem>>)
    %dma_start3A_12 = arith.constant 1 : i32
    %dma_start3A_13 = arith.constant 0 : i32
    %dma_start3A_14 = tpu.memref_slice %arg6[%dma_start3A_12, %dma_start3A_13] : memref<2x64xi32, #tpu.memory_space<vmem>> -> memref<1x64xi32, #tpu.memory_space<vmem>>
    %dma_start3A_15 = tpu.memref_squeeze %dma_start3A_14 : memref<1x64xi32, #tpu.memory_space<vmem>> -> memref<64xi32, #tpu.memory_space<vmem>>
    %dma_start3A_16 = arith.constant 0 : i32
    %dma_start3A_17 = arith.constant 0 : i32
    %dma_start3A_18 = tpu.memref_slice %arg4[%dma_start3A_16, %dma_start3A_17] : memref<9216x768xf32, #tpu.memory_space<hbm>> -> memref<9216x768xf32, #tpu.memory_space<hbm>>
    tpu.enqueue_indirect_dma source(%arg5 : memref<64x768xf32, #tpu.memory_space<vmem>>) target(%dma_start3A_18 : memref<9216x768xf32, #tpu.memory_space<hbm>>) offsets(%dma_start3A_15 : memref<64xi32, #tpu.memory_space<vmem>>) semaphore(%arg7 : memref<!tpu.dma_semaphore, #tpu.memory_space<semaphore_mem>>)
    %dma_wait3A = arith.constant 0 : i32
    %dma_wait3A_19 = arith.constant 0 : i32
    %dma_wait3A_20 = tpu.memref_slice %arg6[%dma_wait3A, %dma_wait3A_19] : memref<2x64xi32, #tpu.memory_space<vmem>> -> memref<1x64xi32, #tpu.memory_space<vmem>>
    %dma_wait3A_21 = tpu.memref_squeeze %dma_wait3A_20 : memref<1x64xi32, #tpu.memory_space<vmem>> -> memref<64xi32, #tpu.memory_space<vmem>>
    %dma_wait3A_22 = arith.constant 0 : i32
    %dma_wait3A_23 = arith.constant 0 : i32
    %dma_wait3A_24 = tpu.memref_slice %arg4[%dma_wait3A_22, %dma_wait3A_23] : memref<9216x768xf32, #tpu.memory_space<hbm>> -> memref<9216x768xf32, #tpu.memory_space<hbm>>
    tpu.wait_indirect_dma semaphore(%arg7 : memref<!tpu.dma_semaphore, #tpu.memory_space<semaphore_mem>>) src(%arg5 : memref<64x768xf32, #tpu.memory_space<vmem>>) dst(%dma_wait3A_24 : memref<9216x768xf32, #tpu.memory_space<hbm>>)
    %dma_wait3A_25 = arith.constant 1 : i32
    %dma_wait3A_26 = arith.constant 0 : i32
    %dma_wait3A_27 = tpu.memref_slice %arg6[%dma_wait3A_25, %dma_wait3A_26] : memref<2x64xi32, #tpu.memory_space<vmem>> -> memref<1x64xi32, #tpu.memory_space<vmem>>
    %dma_wait3A_28 = tpu.memref_squeeze %dma_wait3A_27 : memref<1x64xi32, #tpu.memory_space<vmem>> -> memref<64xi32, #tpu.memory_space<vmem>>
    %dma_wait3A_29 = arith.constant 0 : i32
    %dma_wait3A_30 = arith.constant 0 : i32
    %dma_wait3A_31 = tpu.memref_slice %arg4[%dma_wait3A_29, %dma_wait3A_30] : memref<9216x768xf32, #tpu.memory_space<hbm>> -> memref<9216x768xf32, #tpu.memory_space<hbm>>
    tpu.wait_indirect_dma semaphore(%arg7 : memref<!tpu.dma_semaphore, #tpu.memory_space<semaphore_mem>>) src(%arg5 : memref<64x768xf32, #tpu.memory_space<vmem>>) dst(%dma_wait3A_31 : memref<9216x768xf32, #tpu.memory_space<hbm>>)
    return
  }
}

module attributes {stable_mosaic.version = 14 : i64} {
  func.func @_moe_tile(%arg0: i32, %arg1: memref<16xi32, #tpu.memory_space<smem>>, %arg2: memref<1xi32, #tpu.memory_space<smem>>, %arg3: memref<576x768xf32, #tpu.memory_space<vmem>>, %arg4: memref<1x2048x768xf32, #tpu.memory_space<vmem>>, %arg5: memref<1x2048x768xf32, #tpu.memory_space<vmem>>, %arg6: memref<1x768x2048xf32, #tpu.memory_space<vmem>>, %arg7: memref<576x768xf32, #tpu.memory_space<vmem>>) attributes {dimension_semantics = [#tpu.dimension_semantics<arbitrary>], iteration_bounds = array<i64: 16>, scalar_prefetch = 2 : i64, scratch_operands = 0 : i64, tpu.core_type = #tpu.core_type<tc>, window_params = [{transform_indices = @transform_0, window_bounds = array<i64: 576, 768>}, {transform_indices = @transform_1, window_bounds = array<i64: 1, 2048, 768>}, {transform_indices = @transform_2, window_bounds = array<i64: 1, 2048, 768>}, {transform_indices = @transform_3, window_bounds = array<i64: 1, 768, 2048>}, {transform_indices = @transform_4, window_bounds = array<i64: 576, 768>}]} {
    %get3A = arith.constant 0 : index
    %get3A_0 = memref.load %arg2[%get3A] : memref<1xi32, #tpu.memory_space<smem>>
    %lt3A = arith.cmpi slt, %arg0, %get3A_0 : i32
    %convert_element_type3A = arith.extui %lt3A : i1 to i32
    %cond3A = arith.constant 0 : i32
    %cond3A_1 = arith.cmpi ne, %convert_element_type3A, %cond3A : i32
    scf.if %cond3A_1 {
      %get3A_2 = arith.constant 0 : index
      %get3A_3 = arith.constant 0 : index
      %get3A_4 = vector.load %arg3[%get3A_2, %get3A_3] : memref<576x768xf32, #tpu.memory_space<vmem>>, vector<576x768xf32>
      %convert_element_type3A_5 = arith.truncf %get3A_4 : vector<576x768xf32> to vector<576x768xbf16>
      %get3A_6 = arith.constant 0 : index
      %get3A_7 = arith.constant 0 : index
      %get3A_8 = arith.constant 0 : index
      %get3A_9 = vector.load %arg4[%get3A_6, %get3A_7, %get3A_8] : memref<1x2048x768xf32, #tpu.memory_space<vmem>>, vector<1x2048x768xf32>
      %get3A_10 = vector.shape_cast %get3A_9 : vector<1x2048x768xf32> to vector<2048x768xf32>
      %convert_element_type3A_11 = arith.truncf %get3A_10 : vector<2048x768xf32> to vector<2048x768xbf16>
      %get3A_12 = arith.constant 0 : index
      %get3A_13 = arith.constant 0 : index
      %get3A_14 = arith.constant 0 : index
      %get3A_15 = vector.load %arg5[%get3A_12, %get3A_13, %get3A_14] : memref<1x2048x768xf32, #tpu.memory_space<vmem>>, vector<1x2048x768xf32>
      %get3A_16 = vector.shape_cast %get3A_15 : vector<1x2048x768xf32> to vector<2048x768xf32>
      %convert_element_type3A_17 = arith.truncf %get3A_16 : vector<2048x768xf32> to vector<2048x768xbf16>
      %get3A_18 = arith.constant 0 : index
      %get3A_19 = arith.constant 0 : index
      %get3A_20 = arith.constant 0 : index
      %get3A_21 = vector.load %arg6[%get3A_18, %get3A_19, %get3A_20] : memref<1x768x2048xf32, #tpu.memory_space<vmem>>, vector<1x768x2048xf32>
      %get3A_22 = vector.shape_cast %get3A_21 : vector<1x768x2048xf32> to vector<768x2048xf32>
      %convert_element_type3A_23 = arith.truncf %get3A_22 : vector<768x2048xf32> to vector<768x2048xbf16>
      %dot_general3A = arith.constant dense<0.000000e+00> : vector<576x2048xf32>
      %dot_general3A_24 = tpu.matmul %convert_element_type3A_5, %convert_element_type3A_11, %dot_general3A {dimension_numbers = #tpu.dot_dimension_numbers<[1], [1], [0], [0], [0, 0, 1, 0], [], []>, transpose_lhs_hint = false} : vector<576x768xbf16>, vector<2048x768xbf16>, vector<576x2048xf32> -> vector<576x2048xf32>
      %dot_general3A_25 = arith.constant dense<0.000000e+00> : vector<576x2048xf32>
      %dot_general3A_26 = tpu.matmul %convert_element_type3A_5, %convert_element_type3A_17, %dot_general3A_25 {dimension_numbers = #tpu.dot_dimension_numbers<[1], [1], [0], [0], [0, 0, 1, 0], [], []>, transpose_lhs_hint = false} : vector<576x768xbf16>, vector<2048x768xbf16>, vector<576x2048xf32> -> vector<576x2048xf32>
      %logistic3A = arith.negf %dot_general3A_24 : vector<576x2048xf32>
      %logistic3A_27 = math.exp %logistic3A : vector<576x2048xf32>
      %logistic3A_28 = arith.constant 1.000000e+00 : f32
      %logistic3A_29 = vector.broadcast %logistic3A_28 : f32 to vector<576x2048xf32>
      %logistic3A_30 = arith.addf %logistic3A_29, %logistic3A_27 : vector<576x2048xf32>
      %logistic3A_31 = arith.divf %logistic3A_29, %logistic3A_30 : vector<576x2048xf32>
      %mul3A = arith.mulf %dot_general3A_24, %logistic3A_31 : vector<576x2048xf32>
      %mul3A_32 = arith.mulf %mul3A, %dot_general3A_26 : vector<576x2048xf32>
      %convert_element_type3A_33 = arith.truncf %mul3A_32 : vector<576x2048xf32> to vector<576x2048xbf16>
      %dot_general3A_34 = arith.constant dense<0.000000e+00> : vector<576x768xf32>
      %dot_general3A_35 = tpu.matmul %convert_element_type3A_33, %convert_element_type3A_23, %dot_general3A_34 {dimension_numbers = #tpu.dot_dimension_numbers<[1], [1], [0], [0], [0, 0, 1, 0], [], []>, transpose_lhs_hint = false} : vector<576x2048xbf16>, vector<768x2048xbf16>, vector<576x768xf32> -> vector<576x768xf32>
      %swap3A = arith.constant 0 : index
      %swap3A_36 = arith.constant 0 : index
      %swap3A_37 = vector.load %arg7[%swap3A, %swap3A_36] : memref<576x768xf32, #tpu.memory_space<vmem>>, vector<576x768xf32>
      tpu.vector_store %arg7[%swap3A, %swap3A_36], %dot_general3A_35 {strides = array<i32>} : memref<576x768xf32, #tpu.memory_space<vmem>>, vector<576x768xf32>,
    } else {
    }
    return
  }
  func.func @transform_0(%arg0: i32, %arg1: memref<16xi32, #tpu.memory_space<smem>>, %arg2: memref<1xi32, #tpu.memory_space<smem>>) -> (i32, i32) {
    %get3A = arith.constant 0 : index
    %get3A_0 = memref.load %arg2[%get3A] : memref<1xi32, #tpu.memory_space<smem>>
    %sub3A = arith.constant 1 : i32
    %sub3A_1 = arith.subi %get3A_0, %sub3A : i32
    %min3A = arith.minsi %arg0, %sub3A_1 : i32
    %c0_i32 = arith.constant 0 : i32
    %c0_i32_2 = arith.constant 0 : i32
    return %min3A, %c0_i32 : i32, i32
  }
  func.func @transform_1(%arg0: i32, %arg1: memref<16xi32, #tpu.memory_space<smem>>, %arg2: memref<1xi32, #tpu.memory_space<smem>>) -> (i32, i32, i32) {
    %get3A = arith.index_cast %arg0 : i32 to index
    %get3A_0 = memref.load %arg1[%get3A] : memref<16xi32, #tpu.memory_space<smem>>
    %c0_i32 = arith.constant 0 : i32
    %c0_i32_1 = arith.constant 0 : i32
    %c0_i32_2 = arith.constant 0 : i32
    return %get3A_0, %c0_i32, %c0_i32_1 : i32, i32, i32
  }
  func.func @transform_2(%arg0: i32, %arg1: memref<16xi32, #tpu.memory_space<smem>>, %arg2: memref<1xi32, #tpu.memory_space<smem>>) -> (i32, i32, i32) {
    %get3A = arith.index_cast %arg0 : i32 to index
    %get3A_0 = memref.load %arg1[%get3A] : memref<16xi32, #tpu.memory_space<smem>>
    %c0_i32 = arith.constant 0 : i32
    %c0_i32_1 = arith.constant 0 : i32
    %c0_i32_2 = arith.constant 0 : i32
    return %get3A_0, %c0_i32, %c0_i32_1 : i32, i32, i32
  }
  func.func @transform_3(%arg0: i32, %arg1: memref<16xi32, #tpu.memory_space<smem>>, %arg2: memref<1xi32, #tpu.memory_space<smem>>) -> (i32, i32, i32) {
    %get3A = arith.index_cast %arg0 : i32 to index
    %get3A_0 = memref.load %arg1[%get3A] : memref<16xi32, #tpu.memory_space<smem>>
    %c0_i32 = arith.constant 0 : i32
    %c0_i32_1 = arith.constant 0 : i32
    %c0_i32_2 = arith.constant 0 : i32
    return %get3A_0, %c0_i32, %c0_i32_1 : i32, i32, i32
  }
  func.func @transform_4(%arg0: i32, %arg1: memref<16xi32, #tpu.memory_space<smem>>, %arg2: memref<1xi32, #tpu.memory_space<smem>>) -> (i32, i32) {
    %get3A = arith.constant 0 : index
    %get3A_0 = memref.load %arg2[%get3A] : memref<1xi32, #tpu.memory_space<smem>>
    %sub3A = arith.constant 1 : i32
    %sub3A_1 = arith.subi %get3A_0, %sub3A : i32
    %min3A = arith.minsi %arg0, %sub3A_1 : i32
    %c0_i32 = arith.constant 0 : i32
    %c0_i32_2 = arith.constant 0 : i32
    return %min3A, %c0_i32 : i32, i32
  }
}

</mosaic_0001>

<sc_bundles>
// kernel: gather_offload_async_start
scs
__scs_entry_jumppad:
0x0: {  	(pc) =	sbr.rel $0x88, $3  }
0x1: {  	(tag) =	ssettag $0x0;
	lr =	simm.s32 $0x1  }
0x2: {  	[smem:$0x3F9C] =	sst lr;
	_ =	strace $0xD0000000  }
0x3: {  	_ = 	snop  }
0x4: {  	_ = 	snop  }
0x5: {  	_ = 	snop  }
0x6: {  	_ = 	snop  }
0x7: {  	_ = 	snop  }
__scs_overlays_trampoline_lowered:
0x8: {  	[smem:$0x3FAB] =	sst s0  }
0x9: {  	[smem:$0x3FAC] =	sst s1  }
0xa: {  	[smem:$0x3FAD] =	sst s2  }
0xb: {  	[smem:$0x3FAE] =	sst s3  }
0xc: {  	[smem:$0x3FAF] =	sst s4  }
0xd: {  	[smem:$0x3FB0] =	sst s5  }
0xe: {  	[smem:$0x3FB1] =	sst s6  }
0xf: {  	[smem:$0x3FB2] =	sst s7  }
0x10: {  	[smem:$0x3FB3] =	sst s8  }
0x11: {  	[smem:$0x3FB4] =	sst s9;
	s0 =	simm.s32 @!p0 $0x0  }
0x12: {  	s1 =	sld [smem:$0x3F9A];
	s0 =	simm.s32 @p0 $0x1  }
0x13: {  	[smem:$0x3FB5] =	sst s0;
	s0 =	simm.s32 @!p1 $0x0  }
0x14: {  	s2 =	sld [smem:$0x3F99];
	s0 =	simm.s32 @p1 $0x1  }
0x15: {  	[smem:$0x3FB6] =	sst s0;
	s0 =	simm.s32 @!p2 $0x0  }
0x16: {  	s3 =	sld [smem:$0x3FDB];
	s0 =	simm.s32 @p2 $0x1  }
0x17: {  	s4 =	simm.s32 $0x1BF5;
	[smem:$0x3FB8] =	sst s0  }
0x18: {  	s0 =	sld [smem:$0x3F9B];
	_ =	swait.ge [sflag:s4], $0x0  }
0x19: {  	s7 =	sld [smem:$0x3F9C]  }
0x1a: {  	s8 =	sadd.s32 $0xFFFFE003, lr  }
0x1b: {  	s9 =	sadd.s32 $0xFFFFFEF7, lr;
	s5 =	simm.s32 $0xFFFFFFFF;
	p2 =	slt.u32 s8, $0xFFFFF086  }
0x1c: {  	p1 =	slt.u32 s9, $0xF7A;
	s5 =	simm.s32 @!p2 $0x0  }
0x1d: {  	s5 =	simm.s32 @p1 $0x1;
	p0 =	seq.s32 s7, s2  }
0x1e: {  	s7 =	smul.u32 @!p0 $0xF7A, s2;
	p2 =	seq.s32 @!p0 s5, $0x0  }
0x1f: {  	s9 =	smul.u32 $0xF7A, s1;
	s8 =	simm.s32 @!p0 $0x1BF5;
	p2 =	por !p2, p0  }
0x20: {  	[sflag:s8] =	ssyncset.s32 @!p0 $0xFFFFF086;
	s6 =	sadd.s32 @!p0 s3, s7;
	s7 =	simm.s32 @!p0 $0x108  }
0x21: {  	s3 =	sadd.s32 s3, s9;
	s6 =	sadd.s32 @!p0 $0x88, s6;
	s7 =	simm.s32 @p2 $0x1082  }
0x22: {  	[simem:s7], [sflag:s8] =	dma.local @!p0 [hbm:s6], $0xF7A  }
0x23: {  	s9 =	sor.u32 $0xD0000000, s2;
	s6 =	simm.s32 $0x108;
	_ =	swait.ge @!p0 [sflag:s8], $0x0  }
0x24: {  	s3 =	sadd.s32 $0x88, s3;
	s6 =	simm.s32 @!p1 $0x1082;
	[sflag:s4] =	ssyncset.s32 $0xFFFFF086  }
0x25: {  	[simem:s6], [sflag:s4] =	dma.local [hbm:s3], $0xF7A  }
0x26: {  	[smem:$0x3F9C] =	sst s1;
	(tag) =	ssettag s2;
	_ =	strace s9  }
0x27: {  	s1 =	sld [smem:$0x3FAC]  }
0x28: {  	s2 =	sld [smem:$0x3FAD]  }
0x29: {  	s4 =	sld [smem:$0x3FAF]  }
0x2a: {  	p0 =	seq.s32 s5, $0x0;
	s5 =	sld [smem:$0x3FB0]  }
0x2b: {  	s6 =	sld [smem:$0x3FB1]  }
0x2c: {  	s7 =	sld [smem:$0x3FB2]  }
0x2d: {  	s3 =	simm.s32 $0x108;
	s8 =	sld [smem:$0x3FB3]  }
0x2e: {  	s3 =	simm.s32 @!p0 $0x1082;
	s9 =	sld [smem:$0x3FB4]  }
0x2f: {  	lr =	sadd.s32 s0, s3;
	s0 =	sld [smem:$0x3FAB]  }
0x30: {  	s3 =	sld [smem:$0x3FAE]  }
0x31: {  	[smem:$0x3FB7] =	sst s10  }
0x32: {  	s10 =	sld [smem:$0x3FB5];
	_ =	sdelay $0x3  }
0x33: {  	p0 =	seq.s32 s10, $0x1;
	s10 =	sld [smem:$0x3FB7];
	_ =	sdelay $0x3  }
0x34: {  	[smem:$0x3FB7] =	sst s10  }
0x35: {  	s10 =	sld [smem:$0x3FB6];
	_ =	sdelay $0x3  }
0x36: {  	p1 =	seq.s32 s10, $0x1;
	s10 =	sld [smem:$0x3FB7];
	_ =	sdelay $0x3  }
0x37: {  	[smem:$0x3FB7] =	sst s10  }
0x38: {  	s10 =	sld [smem:$0x3FB8]  }
0x39: {  	_ = 	snop;
	(pc) =	sbr.ind lr, $3  }
0x3a: {  	_ = 	snop  }
0x3b: {  	_ = 	snop  }
0x3c: {  	p2 =	seq.s32 s10, $0x1;
	s10 =	sld [smem:$0x3FB7]  }
0x3d: {  	_ =	shalt  }
0x3e: {  	_ =	shalt  }
0x3f: {  	_ =	shalt  }
0x40: {  	_ =	shalt  }
0x41: {  	_ =	shalt  }
0x42: {  	_ =	shalt  }
0x43: {  	_ =	shalt  }
0x44: {  	_ =	shalt  }
0x45: {  	_ =	shalt  }
0x46: {  	_ =	shalt  }
0x47: {  	_ =	shalt  }
0x48: {  	_ =	shalt  }
0x49: {  	_ =	shalt  }
0x4a: {  	_ =	shalt  }
0x4b: {  	_ =	shalt  }
0x4c: {  	_ =	shalt  }
0x4d: {  	_ =	shalt  }
0x4e: {  	_ =	shalt  }
0x4f: {  	_ =	shalt  }
0x50: {  	_ =	shalt  }
0x51: {  	_ =	shalt  }
0x52: {  	_ =	shalt  }
0x53: {  	_ =	shalt  }
0x54: {  	_ =	shalt  }
0x55: {  	_ =	shalt  }
0x56: {  	_ =	shalt  }
0x57: {  	_ =	shalt  }
0x58: {  	_ =	shalt  }
0x59: {  	_ =	shalt  }
0x5a: {  	_ =	shalt  }
0x5b: {  	_ =	shalt  }
0x5c: {  	_ =	shalt  }
0x5d: {  	_ =	shalt  }
0x5e: {  	_ =	shalt  }
0x5f: {  	_ =	shalt  }
0x60: {  	_ =	shalt  }
0x61: {  	_ =	shalt  }
0x62: {  	_ =	shalt  }
0x63: {  	_ =	shalt  }
0x64: {  	_ =	shalt  }
0x65: {  	_ =	shalt  }
0x66: {  	_ =	shalt  }
0x67: {  	_ =	shalt  }
0x68: {  	_ =	shalt  }
0x69: {  	_ =	shalt  }
0x6a: {  	_ =	shalt  }
0x6b: {  	_ =	shalt  }
0x6c: {  	_ =	shalt  }
0x6d: {  	_ =	shalt  }
0x6e: {  	_ =	shalt  }
0x6f: {  	_ =	shalt  }
0x70: {  	_ =	shalt  }
0x71: {  	_ =	shalt  }
0x72: {  	_ =	shalt  }
0x73: {  	_ =	shalt  }
0x74: {  	_ =	shalt  }
0x75: {  	_ =	shalt  }
0x76: {  	_ =	shalt  }
0x77: {  	_ =	shalt  }
0x78: {  	_ =	shalt  }
0x79: {  	_ =	shalt  }
0x7a: {  	_ =	shalt  }
0x7b: {  	_ =	shalt  }
0x7c: {  	_ =	shalt  }
0x7d: {  	_ =	shalt  }
0x7e: {  	_ =	shalt  }
0x7f: {  	_ =	shalt  }
0x80: {  	_ =	shalt  }
0x81: {  	_ =	shalt  }
0x82: {  	_ =	shalt  }
0x83: {  	_ =	shalt  }
0x84: {  	_ =	shalt  }
0x85: {  	_ =	shalt  }
0x86: {  	_ =	shalt  }
0x87: {  	_ =	shalt  }
.Lfunc_end0:
.L_simem_size_0:
called_computation_lowered:
.L_overlay_start_0:
0x88: {  	s2 =	sld [smem:$0x3FD9]  }
0x89: {  	s3 =	sld [smem:$0x3FFE];
	_ =	sdelay $0x1  }
0x8a: {  	s1 =	srdreg.scid  }
0x8b: {  	s0 =	sand.u32 $0x1, s1  }
0x8c: {  	s16 =	sshll.u32 s0, $0xA;
	s2 =	sadd.s32 s3, s2  }
0x8d: {  	s2 =	sadd.s32 s2, s16  }
0x8e: {  	[smem:$0x3FC3] =	sst s2  }
0x8f: {  	_ = 	snop  }
0x90: {  	(tm) =	ssettm $0x1  }
0x91: {  	s17 =	sld [smem:$0x3FFB];
	_ =	sdelay $0x3  }
0x92: {  	_ =	strace s17  }
0x93: {  	s2 =	sld [smem:$0x3FFC];
	_ =	sdelay $0x3  }
0x94: {  	_ =	strace s2  }
0x95: {  	s2 =	sld [smem:$0x3FFD];
	_ =	sdelay $0x3  }
0x96: {  	_ =	strace s2  }
0x97: {  	_ =	strace $0x8FFFFFFF  }
0x98: {  	s18 =	sld [smem:$0x3FDB];
	_ =	sdelay $0x1  }
0x99: {  	s19 =	simm.s32 $_scs_section_size  }
0x9a: {  	s4 =	simm.s32 $_size__tile_overlayer_lowered;
	s5 =	simm.s32 $_tile_overlayer_lowered  }
0x9b: {  	s22 =	simm.s32 $0x1BFF;
	s21 =	sshll.u32 s5, $0x1;
	s2 =	sadd.s32 s19, s18  }
0x9c: {  	s6 =	simm.s32 $0x0;
	s20 =	sshll.u32 s4, $0x1;
	s4 =	sadd.s32 s21, s2  }
0x9d: {  	[timem:s6], [sflag:s22] =	dma.local [hbm:s4], s20  }
0x9e: {  	_ =	swait.ge [sflag:s22], s20  }
0x9f: {  	s3 =	ssub.s32 $0x0, s20;
	[sflag:s22] =	ssyncset.done $0x0  }
0xa0: {  	[sflag:s22] =	ssyncadd.s32 s3;
	_ =	sdelay $0x1  }
0xa1: {  	s23 =	simm.s32 $0x1B8B  }
0xa2: {  	_ =	swait.ge [sflag:s23], $0x1  }
0xa3: {  	[sflag:s23] =	ssyncset.done $0x0  }
0xa4: {  	s25 =	simm.s32 $0x1B8E;
	s24 =	sld [smem:$0x3FFE];
	[sflag:s23] =	ssyncadd.s32 $0xFFFFFFFF  }
0xa5: {  	s26 =	simm.s32 $execute0_lowered;
	[smem:$0x3FD2] =	sst s25  }
0xa6: {  	s4 =	sshll.u32 s26, $0x1;
	_ =	strace $0x80000049;
	[dreg:$0x1] =	wrdreg $0xFFFFFFFF  }
0xa7: {  	s28 =	simm.s32 $_size_execute0_lowered;
	s2 =	sadd.s32 s2, s4;
	[dreg:$0x0] =	wrdreg $0x0  }
0xa8: {  	s4 =	sshll.u32 s28, $0x1;
	[dreg:$0x2] =	wrdreg s2  }
0xa9: {  	[dreg:$0x3] =	wrdreg s4  }
0xaa: {  	[dreg:$0x4] =	wrdreg $0xC0  }
0xab: {  	_ =	task [dreg:s6], $0x5FFFF  }
0xac: {  	[dreg:$0x1] =	wrdreg $0xFFFFFFFF  }
0xad: {  	[dreg:$0x0] =	wrdreg $0x60  }
0xae: {  	[dreg:$0x2] =	wrdreg s24  }
0xaf: {  	[dreg:$0x3] =	wrdreg $0x9  }
0xb0: {  	_ =	task.clear_ibuf [dreg:s6], $0x4FFFF;
	_ =	strace $0x90000049  }
0xb1: {  	s29 =	simm.s32 $0x9;
	_ =	strace $0x8000004B  }
0xb2: {  	_ =	swait.ge [sflag:s29], $0x1  }
0xb3: {  	[sflag:s29] =	ssyncadd.s32 $0xFFFFFFFF  }
0xb4: {  	_ =	strace $0x9000004B  }
0xb5: {  	_ =	sfence  }
0xb6: {  	s30 =	sld [smem:$0x0];
	_ =	sdelay $0x2  }
0xb7: {  	s31 =	sshll.u32 s1, $0xD;
	s1 =	sshrl.u32 s1, $0x2  }
0xb8: {  	s3 =	sand.u32 $0x4000, s31;
	s1 =	sadd.s32 s1, s30  }
0xb9: {  	s0 =	sor.u32 s3, s0;
	s1 =	sshll.u32 s1, $0x11  }
0xba: {  	s0 =	sor.u32 s1, s0  }
0xbb: {  	s0 =	sadd.s32 $0x8F2B, s0  }
0xbc: {  	[sflag:s0] =	ssyncadd.remote.s32 $0x1  }
0xbd: {  	_ =	sfence.sel $0xFFFF  }
0xbe: {  	[dreg:$0x0] =	wrdreg $0xFFFFFFFF;
	(pc) =	sbr.abs _section_cstart, $3  }
0xbf: {  	[dreg:$0x1] =	wrdreg $0xFFFFFFFF  }
0xc0: {  	_ =	task.clear_ibuf [dreg:s6], $0x2FFFF;
	_ =	strace $0x9FFFFFFF  }
0xc1: {  	(tm) =	ssettm $0x7FFFFFFF  }
tec
execute0_lowered:
.L_overlay_start_1:
0x0: {  	(tag) =	ssettag $0x1  }
0x1: {  	s7 =	rddreg [dreg:$0x0]  }
0x2: {  	s0 =	rddreg [dreg:$0x1];
	_ =	strace $0x8000004A  }
0x3: {  	s1 =	srdreg.scid;
	s4 =	simm.s32 $0x1;
	s9 =	simm.s32 $0x3  }
0x4: {  	s11 =	simm.s32 $0x0;
	p0 =	por $0x0, $0x0;
	s5 =	sshll.u32 s1, $0x4  }
.Ltmp0:
0x5: {  	s1 =	stileid.u32;
	s5 =	sand.u32 $0x10, s5;
	(pc) =	sbr.rel .LBB2_1-.Ltmp0, $4  }
0x6: {  	s2 =	sadd.s32 $0xD9200, s7;
	s3 =	sadd.s32 $0xD9000, s7;
	s6 =	sor.u32 s1, s5  }
0x7: {  	[sflag:s4] =	ssyncpa.u1 $0x0;
	s5 =	simm.s32 $0x2;
	s6 =	sshll.u32 s6, $0x7  }
0x8: {  	s7 =	sadd.s32 $0x800, s7;
	[sflag:s5] =	ssyncpa.u1 $0x0;
	s8 =	sadd.s32 $0x80, s6  }
0x9: {  	vm0 =	vmmov $0xff;
	vm1 =	vcmask $0x3F20;
	[sflag:s9] =	ssyncpa.u1 $0x0;
	s10 =	smov.u32 s6;
	s9 =	simm.s32 $0x0  }
.LBB2_9:
0xa: {  	p1 =	slt.u32 s9, $0x2;
	s11 =	sadd.s32 $0x40, s10  }
0xb: {  	s13 =	smov.u32 s6;
	s9 =	sadd.s32 $0x1, s9;
	p2 =	slt.s32 s11, s8  }
0xc: {  	s13 =	smov.u32 @p2 s11;
	p2 =	sne.s32 s9, $0x4  }
.Ltmp1:
0xd: {  	_ = 	snop;
	(pc) =	sbr.rel @!p2 .LBB2_10-.Ltmp1, $4  }
0xe: {  	s12 =	simm.s32 @!p1 $0x3  }
0xf: {  	_ =	swait.ge @!p1 [sflag:s12], $0xC000  }
0x10: {  	p0 =	por !p0, !p0;
	[sflag:s12] =	ssyncset.done @!p1 $0x0  }
0x11: {  	s11 =	smov.u32 s10;
	s10 =	smov.u32 s13;
	[sflag:s12] =	ssyncadd.s32 @!p1 $0xFFFF4000  }
.LBB2_1:
0x12: {  	p1 =	sgt.u32 s9, $0x1  }
0x13: {  	s12 =	sshll.u32 @!p1 s9, $0x6;
	s13 =	sshrl.u32 @!p1 s10, $0x3  }
0x14: {  	s14 =	sand.u32 @!p1 $0x7, s10;
	s12 =	sxor.u32 @!p1 $0x40, s12;
	s13 =	sadd.s32 @!p1 s3, s13  }
0x15: {  	[tilespmem:s12], [sflag:$0x2] =	stream.linear.gather @!p1 [hbm4b:s13+s14], $0x40, $0x38;
	[tilespmem:$0x18080] =	vst v63  }
0x16: {  	p1 =	seq.s32 s9, $0x0  }
0x17: {  	p2 =	seq.s32 @!p1 s9, $0x3  }
0x18: {  	p1 =	por p1, p2  }
.Ltmp2:
0x19: {  	_ = 	snop;
	(pc) =	sbr.rel @p1 .LBB2_9-.Ltmp2, $1  }
0x1a: {  	_ =	sdelay $0x3  }
0x1b: {  	s12 =	simm.s32 $0x1  }
0x1c: {  	s12 =	simm.s32 @!p0 $0x0  }
0x1d: {  	s12 =	smul.u32 $0x30000, s12;
	_ =	sdelay $0x1  }
0x1e: {  	_ =	swait.ge [sflag:s5], $0x40;
	s13 =	sand.u32 $0x1, s9;
	s12 =	sshrl.u32 s12, $0x2  }
0x1f: {  	s14 =	simm.s32 $0x0;
	[sflag:s5] =	ssyncset.done $0x0;
	s12 =	sor.u32 $0x80, s12  }
0x20: {  	s13 =	sshll.u32 s13, $0x6;
	[sflag:s5] =	ssyncadd.s32 $0xFFFFFFC0;
	s15 =	smov.u32 s12  }
.LBB2_3:
0x21: {  	s16 =	sshll.u32 s14, $0x4  }
0x22: {  	s16 =	sand.u32 $0x3FFFFFF0, s16  }
0x23: {  	s16 =	sadd.s32 s16, s13  }
0x24: {  	v0 =	vld.msk [tilespmem:s16+$0x0 ss:$0x1], $0xffff;
	_ =	sdelay $0x4  }
0x25: {  	vm2 =	vgt.s32 v0, $0x0  }
0x26: {  	v0 =	vnsel vm2, $0x0, v0  }
0x27: {  	v0 =	vmin.u32 v0, $0x23FF  }
0x28: {  	v1 =	vshrl.u32 v0, $0x3  }
0x29: {  	v0 =	vshll.u32 v0, $0x7;
	v1 =	vmul.u32 $0x1800, v1  }
0x2a: {  	v0 =	vand.u32 $0x380, v0  }
0x2b: {  	v0 =	vor.u32 v0, v1  }
0x2c: {  	v0 =	vshrl.u32 v0, $0x3;
	_ =	sdelay $0x3  }
0x2d: {  	s17 =	sadd.s32 $0x0, s15  }
0x2e: {  	[tilespmem:s17], [sflag:$0x1] =	stream.indirect_vreg.gather [hbm:s2], $0x80, v0, vm0, $0x38;
	[tilespmem:$0x18080] =	vst v63  }
0x2f: {  	s16 =	simm.s32 $0x1000;
	v1 =	vadd.s32 $0x80, v0;
	s17 =	sadd.s32 $0x1800, s17  }
.LBB2_4:
0x30: {  	[tilespmem:s17], [sflag:$0x1] =	stream.indirect_vreg.gather [hbm:s2], $0x80, v0, vm1, $0x38;
	[tilespmem:$0x18080] =	vst v63  }
0x31: {  	v0 =	vmov v1;
	s17 =	smov.u32 s16;
	p1 =	sne.s32 s16, $0x5000  }
.Ltmp3:
0x32: {  	s16 =	sadd.s32 $0x1000, s16;
	(pc) =	sbr.rel @p1 .LBB2_4-.Ltmp3, $4  }
0x33: {  	s17 =	sshra.s32 s17, $0x2  }
0x34: {  	s17 =	sadd.s32 s17, s15  }
0x35: {  	[tilespmem:s17], [sflag:$0x1] =	stream.indirect_vreg.gather [hbm:s2], $0x80, v1, vm0, $0x38;
	[tilespmem:$0x18080] =	vst v63  }
0x36: {  	s17 =	sadd.s32 $0x1800, s17;
	v1 =	vadd.s32 $0x80, v1  }
0x37: {  	s14 =	sadd.s32 $0x1, s14  }
0x38: {  	p1 =	sne.s32 s14, $0x4  }
.Ltmp4:
0x39: {  	_ = 	snop;
	(pc) =	sbr.rel @p1 .LBB2_3-.Ltmp4, $3  }
0x3a: {  	_ =	sdelay $0x1  }
0x3b: {  	[tilespmem:s17], [sflag:$0x1] =	stream.indirect_vreg.gather [hbm:s2], $0x80, v0, vm1, $0x38;
	[tilespmem:$0x18080] =	vst v63  }
0x3c: {  	s15 =	sadd.s32 $0x3000, s15  }
0x3d: {  	s13 =	sshrl.u32 s11, $0x3  }
0x3e: {  	s13 =	smul.u32 $0x300, s13  }
0x3f: {  	s31 =	sshll.u32 s11, $0x4  }
0x40: {  	_ =	swait.ge [sflag:s4], $0xC000;
	s11 =	sand.u32 $0x70, s31;
	s13 =	sadd.s32 s13, s7  }
0x41: {  	s14 =	sadd.s32 $0x1800, s12;
	[sflag:s4] =	ssyncset.done $0x0;
	s11 =	sadd.s32 s11, s13  }
0x42: {  	[sflag:s4] =	ssyncadd.s32 $0xFFFF4000;
	s13 =	simm.s32 $0x300;
	s15 =	sadd.s32 $0x0, s11  }
.LBB2_7:
0x43: {  	[hbm:s15] =	stream.linear.scatter [tilespmem:s12], [sflag:$0x3], $0x1800, $0x38;
	[tilespmem:$0x18080] =	vst v63  }
0x44: {  	s15 =	smov.u32 s13;
	s12 =	smov.u32 s14;
	p1 =	sne.s32 s13, $0x1500  }
.Ltmp5:
0x45: {  	s13 =	sadd.s32 $0x300, s13;
	(pc) =	sbr.rel @p1 .LBB2_7-.Ltmp5, $2  }
0x46: {  	_ =	sdelay $0x2  }
0x47: {  	s14 =	sadd.s32 $0x1800, s14;
	s15 =	sadd.s32 s15, s11  }
.Ltmp6:
0x48: {  	(pc) =	sbr.rel .LBB2_9-.Ltmp6, $2  }
0x49: {  	_ =	sdelay $0x2  }
0x4a: {  	[hbm:s15] =	stream.linear.scatter [tilespmem:s12], [sflag:$0x3], $0x1800, $0x38;
	[tilespmem:$0x18080] =	vst v63  }
.LBB2_10:
0x4b: {  	_ =	sfence.sel $0x180000  }
0x4c: {  	s2 =	simm.s32 $0x2;
	[bflag:$0x0] =	sbarrier.arrive $0xFFFF  }
0x4d: {  	s30 =	simm.s32 $0x3;
	[sflag:s2] =	ssyncpa.u1 $0x1  }
0x4e: {  	s31 =	simm.s32 $0x1;
	[sflag:s30] =	ssyncpa.u1 $0x1  }
0x4f: {  	[sflag:s31] =	ssyncpa.u1 $0x1  }
0x50: {  	p0 =	sne.s32 s1, $0x0;
	_ =	strace $0x9000004A  }
0x51: {  	s0 =	sadd.s32 @!p0 $0x100000, s0;
	[bflag:$0x2] =	sbarrier.arrive $0xFFFF  }
0x52: {  	[sflag:s0] =	ssyncadd.tile.s32 @!p0 $0x1;
	_ =	shalt  }
.Lfunc_end2:
_tile_overlayer_lowered:
.L_overlay_start_2:
0x53: {  	(tag) =	ssettag $0x2  }
0x54: {  	s0 =	rddreg [dreg:$0x0];
	s2 =	stileid.u32  }
0x55: {  	s1 =	rddreg [dreg:$0x1];
	p0 =	sne.s32 s2, $0x0  }
0x56: {  	s3 =	rddreg [dreg:$0x2];
	[bflag:$0x3] =	sbarrier.arrive $0xFFFF;
	s2 =	simm.s32 @!p0 $0x1C01  }
0x57: {  	[timem:s3], [sflag:s2] =	dma.local @!p0 [hbm:s0], s1  }
0x58: {  	s0 =	simm.s32 @!p0 $0x1  }
0x59: {  	_ =	swait.ge @!p0 [sflag:s0], s1  }
0x5a: {  	s1 =	ssub.s32 @!p0 $0x0, s1;
	[sflag:s0] =	ssyncset.done @!p0 $0x0  }
0x5b: {  	[sflag:s0] =	ssyncadd.s32 @!p0 s1  }
0x5c: {  	[bflag:$0x3] =	sbarrier.arrive $0xFFFF  }
0x5d: {  	_ =	shalt  }

// kernel: kernel.4.cloned.1.call-start
scs
__scs_entry_jumppad:
0x0: {  	(pc) =	sbr.rel $0x88, $3  }
0x1: {  	(tag) =	ssettag $0x0;
	lr =	simm.s32 $0x1  }
0x2: {  	[smem:$0x3F9C] =	sst lr;
	_ =	strace $0xD0000000  }
0x3: {  	_ = 	snop  }
0x4: {  	_ = 	snop  }
0x5: {  	_ = 	snop  }
0x6: {  	_ = 	snop  }
0x7: {  	_ = 	snop  }
__scs_overlays_trampoline_lowered:
0x8: {  	[smem:$0x3FAB] =	sst s0  }
0x9: {  	[smem:$0x3FAC] =	sst s1  }
0xa: {  	[smem:$0x3FAD] =	sst s2  }
0xb: {  	[smem:$0x3FAE] =	sst s3  }
0xc: {  	[smem:$0x3FAF] =	sst s4  }
0xd: {  	[smem:$0x3FB0] =	sst s5  }
0xe: {  	[smem:$0x3FB1] =	sst s6  }
0xf: {  	[smem:$0x3FB2] =	sst s7  }
0x10: {  	[smem:$0x3FB3] =	sst s8  }
0x11: {  	[smem:$0x3FB4] =	sst s9;
	s0 =	simm.s32 @!p0 $0x0  }
0x12: {  	s1 =	sld [smem:$0x3F9A];
	s0 =	simm.s32 @p0 $0x1  }
0x13: {  	[smem:$0x3FB5] =	sst s0;
	s0 =	simm.s32 @!p1 $0x0  }
0x14: {  	s2 =	sld [smem:$0x3F99];
	s0 =	simm.s32 @p1 $0x1  }
0x15: {  	[smem:$0x3FB6] =	sst s0;
	s0 =	simm.s32 @!p2 $0x0  }
0x16: {  	s3 =	sld [smem:$0x3FDB];
	s0 =	simm.s32 @p2 $0x1  }
0x17: {  	s4 =	simm.s32 $0x1BF5;
	[smem:$0x3FB8] =	sst s0  }
0x18: {  	s0 =	sld [smem:$0x3F9B];
	_ =	swait.ge [sflag:s4], $0x0  }
0x19: {  	s7 =	sld [smem:$0x3F9C]  }
0x1a: {  	s8 =	sadd.s32 $0xFFFFE003, lr  }
0x1b: {  	s9 =	sadd.s32 $0xFFFFFEF7, lr;
	s5 =	simm.s32 $0xFFFFFFFF;
	p2 =	slt.u32 s8, $0xFFFFF086  }
0x1c: {  	p1 =	slt.u32 s9, $0xF7A;
	s5 =	simm.s32 @!p2 $0x0  }
0x1d: {  	s5 =	simm.s32 @p1 $0x1;
	p0 =	seq.s32 s7, s2  }
0x1e: {  	s7 =	smul.u32 @!p0 $0xF7A, s2;
	p2 =	seq.s32 @!p0 s5, $0x0  }
0x1f: {  	s9 =	smul.u32 $0xF7A, s1;
	s8 =	simm.s32 @!p0 $0x1BF5;
	p2 =	por !p2, p0  }
0x20: {  	[sflag:s8] =	ssyncset.s32 @!p0 $0xFFFFF086;
	s6 =	sadd.s32 @!p0 s3, s7;
	s7 =	simm.s32 @!p0 $0x108  }
0x21: {  	s3 =	sadd.s32 s3, s9;
	s6 =	sadd.s32 @!p0 $0x88, s6;
	s7 =	simm.s32 @p2 $0x1082  }
0x22: {  	[simem:s7], [sflag:s8] =	dma.local @!p0 [hbm:s6], $0xF7A  }
0x23: {  	s9 =	sor.u32 $0xD0000000, s2;
	s6 =	simm.s32 $0x108;
	_ =	swait.ge @!p0 [sflag:s8], $0x0  }
0x24: {  	s3 =	sadd.s32 $0x88, s3;
	s6 =	simm.s32 @!p1 $0x1082;
	[sflag:s4] =	ssyncset.s32 $0xFFFFF086  }
0x25: {  	[simem:s6], [sflag:s4] =	dma.local [hbm:s3], $0xF7A  }
0x26: {  	[smem:$0x3F9C] =	sst s1;
	(tag) =	ssettag s2;
	_ =	strace s9  }
0x27: {  	s1 =	sld [smem:$0x3FAC]  }
0x28: {  	s2 =	sld [smem:$0x3FAD]  }
0x29: {  	s4 =	sld [smem:$0x3FAF]  }
0x2a: {  	p0 =	seq.s32 s5, $0x0;
	s5 =	sld [smem:$0x3FB0]  }
0x2b: {  	s6 =	sld [smem:$0x3FB1]  }
0x2c: {  	s7 =	sld [smem:$0x3FB2]  }
0x2d: {  	s3 =	simm.s32 $0x108;
	s8 =	sld [smem:$0x3FB3]  }
0x2e: {  	s3 =	simm.s32 @!p0 $0x1082;
	s9 =	sld [smem:$0x3FB4]  }
0x2f: {  	lr =	sadd.s32 s0, s3;
	s0 =	sld [smem:$0x3FAB]  }
0x30: {  	s3 =	sld [smem:$0x3FAE]  }
0x31: {  	[smem:$0x3FB7] =	sst s10  }
0x32: {  	s10 =	sld [smem:$0x3FB5];
	_ =	sdelay $0x3  }
0x33: {  	p0 =	seq.s32 s10, $0x1;
	s10 =	sld [smem:$0x3FB7];
	_ =	sdelay $0x3  }
0x34: {  	[smem:$0x3FB7] =	sst s10  }
0x35: {  	s10 =	sld [smem:$0x3FB6];
	_ =	sdelay $0x3  }
0x36: {  	p1 =	seq.s32 s10, $0x1;
	s10 =	sld [smem:$0x3FB7];
	_ =	sdelay $0x3  }
0x37: {  	[smem:$0x3FB7] =	sst s10  }
0x38: {  	s10 =	sld [smem:$0x3FB8]  }
0x39: {  	_ = 	snop;
	(pc) =	sbr.ind lr, $3  }
0x3a: {  	_ = 	snop  }
0x3b: {  	_ = 	snop  }
0x3c: {  	p2 =	seq.s32 s10, $0x1;
	s10 =	sld [smem:$0x3FB7]  }
0x3d: {  	_ =	shalt  }
0x3e: {  	_ =	shalt  }
0x3f: {  	_ =	shalt  }
0x40: {  	_ =	shalt  }
0x41: {  	_ =	shalt  }
0x42: {  	_ =	shalt  }
0x43: {  	_ =	shalt  }
0x44: {  	_ =	shalt  }
0x45: {  	_ =	shalt  }
0x46: {  	_ =	shalt  }
0x47: {  	_ =	shalt  }
0x48: {  	_ =	shalt  }
0x49: {  	_ =	shalt  }
0x4a: {  	_ =	shalt  }
0x4b: {  	_ =	shalt  }
0x4c: {  	_ =	shalt  }
0x4d: {  	_ =	shalt  }
0x4e: {  	_ =	shalt  }
0x4f: {  	_ =	shalt  }
0x50: {  	_ =	shalt  }
0x51: {  	_ =	shalt  }
0x52: {  	_ =	shalt  }
0x53: {  	_ =	shalt  }
0x54: {  	_ =	shalt  }
0x55: {  	_ =	shalt  }
0x56: {  	_ =	shalt  }
0x57: {  	_ =	shalt  }
0x58: {  	_ =	shalt  }
0x59: {  	_ =	shalt  }
0x5a: {  	_ =	shalt  }
0x5b: {  	_ =	shalt  }
0x5c: {  	_ =	shalt  }
0x5d: {  	_ =	shalt  }
0x5e: {  	_ =	shalt  }
0x5f: {  	_ =	shalt  }
0x60: {  	_ =	shalt  }
0x61: {  	_ =	shalt  }
0x62: {  	_ =	shalt  }
0x63: {  	_ =	shalt  }
0x64: {  	_ =	shalt  }
0x65: {  	_ =	shalt  }
0x66: {  	_ =	shalt  }
0x67: {  	_ =	shalt  }
0x68: {  	_ =	shalt  }
0x69: {  	_ =	shalt  }
0x6a: {  	_ =	shalt  }
0x6b: {  	_ =	shalt  }
0x6c: {  	_ =	shalt  }
0x6d: {  	_ =	shalt  }
0x6e: {  	_ =	shalt  }
0x6f: {  	_ =	shalt  }
0x70: {  	_ =	shalt  }
0x71: {  	_ =	shalt  }
0x72: {  	_ =	shalt  }
0x73: {  	_ =	shalt  }
0x74: {  	_ =	shalt  }
0x75: {  	_ =	shalt  }
0x76: {  	_ =	shalt  }
0x77: {  	_ =	shalt  }
0x78: {  	_ =	shalt  }
0x79: {  	_ =	shalt  }
0x7a: {  	_ =	shalt  }
0x7b: {  	_ =	shalt  }
0x7c: {  	_ =	shalt  }
0x7d: {  	_ =	shalt  }
0x7e: {  	_ =	shalt  }
0x7f: {  	_ =	shalt  }
0x80: {  	_ =	shalt  }
0x81: {  	_ =	shalt  }
0x82: {  	_ =	shalt  }
0x83: {  	_ =	shalt  }
0x84: {  	_ =	shalt  }
0x85: {  	_ =	shalt  }
0x86: {  	_ =	shalt  }
0x87: {  	_ =	shalt  }
.Lfunc_end0:
.L_simem_size_0:
called_computation.1_lowered:
.L_overlay_start_0:
0x88: {  	s2 =	sld [smem:$0x3FD9]  }
0x89: {  	s3 =	sld [smem:$0x3FFE];
	_ =	sdelay $0x1  }
0x8a: {  	s1 =	srdreg.scid  }
0x8b: {  	s0 =	sand.u32 $0x1, s1  }
0x8c: {  	s17 =	sshll.u32 s0, $0xA;
	s2 =	sadd.s32 s3, s2  }
0x8d: {  	s2 =	sadd.s32 s2, s17  }
0x8e: {  	[smem:$0x3FC3] =	sst s2  }
0x8f: {  	_ = 	snop  }
0x90: {  	s2 =	sld [smem:$0x3FC9]  }
0x91: {  	s18 =	sld [smem:$0x3FD0];
	(tm) =	ssettm $0x1  }
0x92: {  	s4 =	sld [smem:$0x3FFB];
	_ =	sdelay $0x3  }
0x93: {  	_ =	strace s4  }
0x94: {  	s4 =	sld [smem:$0x3FFC];
	_ =	sdelay $0x3  }
0x95: {  	_ =	strace s4  }
0x96: {  	s4 =	sld [smem:$0x3FFD];
	_ =	sdelay $0x3  }
0x97: {  	_ =	strace s4  }
0x98: {  	_ =	strace $0x8FFFFFFF  }
0x99: {  	s19 =	sld [smem:$0x3FDB];
	_ =	sdelay $0x1  }
0x9a: {  	s5 =	simm.s32 $_scs_section_size  }
0x9b: {  	s6 =	simm.s32 $_size__tile_overlayer_lowered;
	s7 =	simm.s32 $_tile_overlayer_lowered  }
0x9c: {  	s22 =	simm.s32 $0x1BFF;
	s21 =	sshll.u32 s7, $0x1;
	s4 =	sadd.s32 s5, s19  }
0x9d: {  	s8 =	simm.s32 $0x0;
	s20 =	sshll.u32 s6, $0x1;
	s6 =	sadd.s32 s21, s4  }
0x9e: {  	[timem:s8], [sflag:s22] =	dma.local [hbm:s6], s20  }
0x9f: {  	_ =	swait.ge [sflag:s22], s20  }
0xa0: {  	s5 =	ssub.s32 $0x0, s20;
	[sflag:s22] =	ssyncset.done $0x0  }
0xa1: {  	[sflag:s22] =	ssyncadd.s32 s5;
	_ =	sdelay $0x1  }
0xa2: {  	s23 =	simm.s32 $0x1B8B  }
0xa3: {  	_ =	swait.ge [sflag:s23], $0x1  }
0xa4: {  	[sflag:s23] =	ssyncset.done $0x0  }
0xa5: {  	s25 =	simm.s32 $0x1B8E;
	s24 =	sld [smem:$0x3FFE];
	[sflag:s23] =	ssyncadd.s32 $0xFFFFFFFF  }
0xa6: {  	s26 =	simm.s32 $execute0_lowered;
	[smem:$0x3FD2] =	sst s25  }
0xa7: {  	s6 =	sshll.u32 s26, $0x1;
	_ =	strace $0x80000046;
	[dreg:$0x1] =	wrdreg $0xFFFFFFFF  }
0xa8: {  	s28 =	simm.s32 $_size_execute0_lowered;
	s4 =	sadd.s32 s4, s6;
	[dreg:$0x0] =	wrdreg $0x0  }
0xa9: {  	s6 =	sshll.u32 s28, $0x1;
	[dreg:$0x2] =	wrdreg s4  }
0xaa: {  	[dreg:$0x3] =	wrdreg s6  }
0xab: {  	[dreg:$0x4] =	wrdreg $0xC0  }
0xac: {  	_ =	task [dreg:s8], $0x5FFFF  }
0xad: {  	[dreg:$0x1] =	wrdreg $0xFFFFFFFF  }
0xae: {  	[dreg:$0x0] =	wrdreg $0x60  }
0xaf: {  	[dreg:$0x2] =	wrdreg s2  }
0xb0: {  	[dreg:$0x3] =	wrdreg s18  }
0xb1: {  	[dreg:$0x4] =	wrdreg s24  }
0xb2: {  	[dreg:$0x5] =	wrdreg $0x9  }
0xb3: {  	_ =	task.clear_ibuf [dreg:s8], $0x6FFFF;
	_ =	strace $0x90000046  }
0xb4: {  	s29 =	simm.s32 $0x9;
	_ =	strace $0x80000048  }
0xb5: {  	_ =	swait.ge [sflag:s29], $0x1  }
0xb6: {  	[sflag:s29] =	ssyncadd.s32 $0xFFFFFFFF  }
0xb7: {  	_ =	strace $0x90000048  }
0xb8: {  	_ =	sfence  }
0xb9: {  	s30 =	sld [smem:$0x0];
	_ =	sdelay $0x2  }
0xba: {  	s31 =	sshll.u32 s1, $0xD;
	s1 =	sshrl.u32 s1, $0x2  }
0xbb: {  	s3 =	sand.u32 $0x4000, s31;
	s1 =	sadd.s32 s1, s30  }
0xbc: {  	s0 =	sor.u32 s3, s0;
	s1 =	sshll.u32 s1, $0x11  }
0xbd: {  	s0 =	sor.u32 s1, s0  }
0xbe: {  	s0 =	sadd.s32 $0x8F2B, s0  }
0xbf: {  	[sflag:s0] =	ssyncadd.remote.s32 $0x1  }
0xc0: {  	_ =	sfence.sel $0xFFFF  }
0xc1: {  	[dreg:$0x0] =	wrdreg $0xFFFFFFFF;
	(pc) =	sbr.abs _section_cstart, $3  }
0xc2: {  	[dreg:$0x1] =	wrdreg $0xFFFFFFFF  }
0xc3: {  	_ =	task.clear_ibuf [dreg:s8], $0x2FFFF;
	_ =	strace $0x9FFFFFFF  }
0xc4: {  	(tm) =	ssettm $0x7FFFFFFF  }
0xc5: {  	_ =	shalt  }
tec
execute0_lowered:
.L_overlay_start_1:
0x0: {  	(tag) =	ssettag $0x1  }
0x1: {  	s0 =	rddreg [dreg:$0x0]  }
0x2: {  	s4 =	rddreg [dreg:$0x1]  }
0x3: {  	s5 =	rddreg [dreg:$0x2];
	s3 =	srdreg.scid;
	s2 =	simm.s32 $0x0  }
0x4: {  	s1 =	stileid.u32;
	s25 =	simm.s32 $0xC000;
	s26 =	simm.s32 $0xC080  }
0x5: {  	s12 =	simm.s32 $0x2800;
	s13 =	simm.s32 $0x3000;
	s14 =	simm.s32 $0x3800  }
0x6: {  	s15 =	simm.s32 $0x4000;
	s16 =	simm.s32 $0x4800;
	s17 =	simm.s32 $0x5000  }
0x7: {  	s18 =	simm.s32 $0x5800;
	s19 =	simm.s32 $0x6000;
	s20 =	simm.s32 $0x6800  }
0x8: {  	s28 =	simm.s32 $0xA000;
	s29 =	simm.s32 $0xA800;
	s30 =	simm.s32 $0xB000  }
0x9: {  	s31 =	simm.s32 $0xB800;
	s6 =	sand.u32 $0x1, s3;
	[smem:$0x7FF] =	sst s2  }
0xa: {  	s21 =	sshll.u32 s1, $0x7;
	s3 =	sadd.s32 $0x800, s5;
	s7 =	sshll.u32 s6, $0x6  }
0xb: {  	_ =	strace $0x80000047;
	s6 =	ssub.s32 $0x2, s6;
	[dreg:$0x7] =	wrdreg s25  }
0xc: {  	[dreg:$0x8] =	wrdreg s26;
	s25 =	simm.s32 $0x9000;
	s26 =	simm.s32 $0x9800  }
0xd: {  	s8 =	sor.u32 s7, s21;
	s11 =	sshrl.u32 s6, $0x1;
	s21 =	simm.s32 $0x7000  }
0xe: {  	s9 =	sshrl.u32 s8, $0x3;
	s8 =	sshll.u32 s8, $0x1;
	s6 =	ssub.s32 s6, s11  }
0xf: {  	s11 =	simm.s32 $0x2000;
	s9 =	smul.u32 $0x300, s9;
	s10 =	sand.u32 $0xF00, s8  }
0x10: {  	s6 =	smax.u32 s6, $0x1;
	s10 =	sor.u32 s7, s10;
	s7 =	sor.u32 s7, s8  }
0x11: {  	s0 =	sadd.s32 s0, s9;
	s22 =	sshrl.u32 s10, $0x3;
	s7 =	sshrl.u32 s7, $0x3  }
0x12: {  	s9 =	simm.s32 $0x1000;
	s10 =	simm.s32 $0x1800;
	[dreg:$0x4] =	wrdreg s0  }
0x13: {  	s23 =	sadd.s32 s4, s22;
	s7 =	sor.u32 $0x10, s7;
	s22 =	simm.s32 $0x7800  }
0x14: {  	v2 =	vlaneseq.u32;
	s0 =	simm.s32 $0x1;
	[dreg:$0x5] =	wrdreg s23;
	s24 =	sadd.s32 s4, s7  }
0x15: {  	vm0 =	vmmov $0xffff;
	v1 =	vshrl.u32 v2, $0x3;
	s4 =	sadd.s32 $0x900, s5;
	s5 =	sadd.s32 $0xA00, s5;
	s7 =	simm.s32 $0x2  }
0x16: {  	v0 =	vand.u32 $0x7, v2;
	v2 =	vor.u32 $0x8, v2;
	v1 =	vmul.u32 $0x8, v1;
	s23 =	simm.s32 $0x8000;
	[dreg:$0x6] =	wrdreg s24;
	s24 =	simm.s32 $0x8800  }
.LBB2_1:
0x17: {  	s1 =	rddreg [dreg:$0x4]  }
0x18: {  	[tilespmem:s2], [sflag:$0x2] =	stream.linear.gather [hbm4b:s1+s2], $0xC000, $0x38;
	[tilespmem:$0xC100] =	vst v63  }
0x19: {  	_ =	swait.ge [sflag:s7], $0xC000  }
0x1a: {  	s1 =	rddreg [dreg:$0x5];
	[sflag:s7] =	ssyncset.done $0x0  }
0x1b: {  	s8 =	rddreg [dreg:$0x7];
	[sflag:s7] =	ssyncadd.s32 $0xFFFF4000  }
0x1c: {  	[tilespmem:s8], [sflag:$0x2] =	stream.linear.gather [hbm4b:s1+s2], $0x40, $0x38;
	[tilespmem:$0xC100] =	vst v63  }
0x1d: {  	_ =	swait.ge [sflag:s7], $0x40  }
0x1e: {  	s1 =	rddreg [dreg:$0x6];
	[sflag:s7] =	ssyncset.done $0x0  }
0x1f: {  	s8 =	rddreg [dreg:$0x8];
	[sflag:s7] =	ssyncadd.s32 $0xFFFFFFC0  }
0x20: {  	[tilespmem:s8], [sflag:$0x2] =	stream.linear.gather [hbm4b:s1+s2], $0x40, $0x38;
	[tilespmem:$0xC100] =	vst v63  }
0x21: {  	_ =	swait.ge [sflag:s7], $0x40  }
0x22: {  	[sflag:s7] =	ssyncset.done $0x0  }
0x23: {  	[sflag:s7] =	ssyncadd.s32 $0xFFFFFFC0  }
0x24: {  	v3 =	vld [tilespmem:$0xC000];
	_ =	sdelay $0x4  }
0x25: {  	v4 =	vshrl.u32 v3, $0x3  }
0x26: {  	v4 =	vmul.u32 $0x30, v4  }
0x27: {  	v3 =	vand.u32 $0x7, v3  }
0x28: {  	v3 =	vor.u32 v3, v4  }
0x29: {  	v4 =	vperm.xlane v3, v0;
	_ =	sdelay $0x1  }
0x2a: {  	v4 =	vadd.s32 v1, v4;
	_ =	sdelay $0x3  }
0x2b: {  	v3 =	vperm.xlane v3, v2  }
0x2c: {  	[hbm4b:s3+s2] =	stream.indirect_vreg.scatter [tilespmem:s2], [sflag:$0x1], $0x80, v4, vm0, $0xb8;
	[tilespmem:$0xC100] =	vst v63  }
0x2d: {  	s8 =	simm.s32 $0x800;
	v3 =	vadd.s32 v1, v3  }
0x2e: {  	[hbm4b:s4+s2] =	stream.indirect_vreg.scatter [tilespmem:s8], [sflag:$0x1], $0x80, v4, vm0, $0xb8;
	[tilespmem:$0xC100] =	vst v63  }
0x2f: {  	_ = 	snop  }
0x30: {  	[hbm4b:s5+s2] =	stream.indirect_vreg.scatter [tilespmem:s9], [sflag:$0x1], $0x80, v4, vm0, $0xb8;
	[tilespmem:$0xC100] =	vst v63  }
0x31: {  	_ = 	snop  }
0x32: {  	[hbm4b:s3+s2] =	stream.indirect_vreg.scatter [tilespmem:s10], [sflag:$0x1], $0x80, v3, vm0, $0xb8;
	[tilespmem:$0xC100] =	vst v63  }
0x33: {  	_ = 	snop  }
0x34: {  	[hbm4b:s4+s2] =	stream.indirect_vreg.scatter [tilespmem:s11], [sflag:$0x1], $0x80, v3, vm0, $0xb8;
	[tilespmem:$0xC100] =	vst v63  }
0x35: {  	_ = 	snop  }
0x36: {  	[hbm4b:s5+s2] =	stream.indirect_vreg.scatter [tilespmem:s12], [sflag:$0x1], $0x80, v3, vm0, $0xb8;
	[tilespmem:$0xC100] =	vst v63  }
0x37: {  	v3 =	vld [tilespmem:$0xC010];
	_ =	sdelay $0x4  }
0x38: {  	v57 =	vshrl.u32 v3, $0x3  }
0x39: {  	v4 =	vmul.u32 $0x30, v57  }
0x3a: {  	v3 =	vand.u32 $0x7, v3  }
0x3b: {  	v3 =	vor.u32 v3, v4  }
0x3c: {  	v4 =	vperm.xlane v3, v0;
	_ =	sdelay $0x1  }
0x3d: {  	v4 =	vadd.s32 v1, v4;
	_ =	sdelay $0x3  }
0x3e: {  	v3 =	vperm.xlane v3, v2  }
0x3f: {  	[hbm4b:s3+s2] =	stream.indirect_vreg.scatter [tilespmem:s13], [sflag:$0x1], $0x80, v4, vm0, $0xb8;
	[tilespmem:$0xC100] =	vst v63  }
0x40: {  	v3 =	vadd.s32 v1, v3  }
0x41: {  	[hbm4b:s4+s2] =	stream.indirect_vreg.scatter [tilespmem:s14], [sflag:$0x1], $0x80, v4, vm0, $0xb8;
	[tilespmem:$0xC100] =	vst v63  }
0x42: {  	_ = 	snop  }
0x43: {  	[hbm4b:s5+s2] =	stream.indirect_vreg.scatter [tilespmem:s15], [sflag:$0x1], $0x80, v4, vm0, $0xb8;
	[tilespmem:$0xC100] =	vst v63  }
0x44: {  	_ = 	snop  }
0x45: {  	[hbm4b:s3+s2] =	stream.indirect_vreg.scatter [tilespmem:s16], [sflag:$0x1], $0x80, v3, vm0, $0xb8;
	[tilespmem:$0xC100] =	vst v63  }
0x46: {  	_ = 	snop  }
0x47: {  	[hbm4b:s4+s2] =	stream.indirect_vreg.scatter [tilespmem:s17], [sflag:$0x1], $0x80, v3, vm0, $0xb8;
	[tilespmem:$0xC100] =	vst v63  }
0x48: {  	_ = 	snop  }
0x49: {  	[hbm4b:s5+s2] =	stream.indirect_vreg.scatter [tilespmem:s18], [sflag:$0x1], $0x80, v3, vm0, $0xb8;
	[tilespmem:$0xC100] =	vst v63  }
0x4a: {  	v3 =	vld [tilespmem:$0xC020];
	_ =	sdelay $0x4  }
0x4b: {  	v58 =	vshrl.u32 v3, $0x3  }
0x4c: {  	v4 =	vmul.u32 $0x30, v58  }
0x4d: {  	v3 =	vand.u32 $0x7, v3  }
0x4e: {  	v3 =	vor.u32 v3, v4  }
0x4f: {  	v4 =	vperm.xlane v3, v0;
	_ =	sdelay $0x1  }
0x50: {  	v4 =	vadd.s32 v1, v4;
	_ =	sdelay $0x3  }
0x51: {  	v3 =	vperm.xlane v3, v2  }
0x52: {  	[hbm4b:s3+s2] =	stream.indirect_vreg.scatter [tilespmem:s19], [sflag:$0x1], $0x80, v4, vm0, $0xb8;
	[tilespmem:$0xC100] =	vst v63  }
0x53: {  	v3 =	vadd.s32 v1, v3  }
0x54: {  	[hbm4b:s4+s2] =	stream.indirect_vreg.scatter [tilespmem:s20], [sflag:$0x1], $0x80, v4, vm0, $0xb8;
	[tilespmem:$0xC100] =	vst v63  }
0x55: {  	_ = 	snop  }
0x56: {  	[hbm4b:s5+s2] =	stream.indirect_vreg.scatter [tilespmem:s21], [sflag:$0x1], $0x80, v4, vm0, $0xb8;
	[tilespmem:$0xC100] =	vst v63  }
0x57: {  	_ = 	snop  }
0x58: {  	[hbm4b:s3+s2] =	stream.indirect_vreg.scatter [tilespmem:s22], [sflag:$0x1], $0x80, v3, vm0, $0xb8;
	[tilespmem:$0xC100] =	vst v63  }
0x59: {  	_ = 	snop  }
0x5a: {  	[hbm4b:s4+s2] =	stream.indirect_vreg.scatter [tilespmem:s23], [sflag:$0x1], $0x80, v3, vm0, $0xb8;
	[tilespmem:$0xC100] =	vst v63  }
0x5b: {  	_ = 	snop  }
0x5c: {  	[hbm4b:s5+s2] =	stream.indirect_vreg.scatter [tilespmem:s24], [sflag:$0x1], $0x80, v3, vm0, $0xb8;
	[tilespmem:$0xC100] =	vst v63  }
0x5d: {  	v3 =	vld [tilespmem:$0xC030];
	_ =	sdelay $0x4  }
0x5e: {  	v59 =	vshrl.u32 v3, $0x3  }
0x5f: {  	v4 =	vmul.u32 $0x30, v59  }
0x60: {  	v3 =	vand.u32 $0x7, v3  }
0x61: {  	v3 =	vor.u32 v3, v4  }
0x62: {  	v4 =	vperm.xlane v3, v0;
	_ =	sdelay $0x1  }
0x63: {  	v4 =	vadd.s32 v1, v4;
	_ =	sdelay $0x3  }
0x64: {  	v3 =	vperm.xlane v3, v2  }
0x65: {  	[hbm4b:s3+s2] =	stream.indirect_vreg.scatter [tilespmem:s25], [sflag:$0x1], $0x80, v4, vm0, $0xb8;
	[tilespmem:$0xC100] =	vst v63  }
0x66: {  	v3 =	vadd.s32 v1, v3  }
0x67: {  	[hbm4b:s4+s2] =	stream.indirect_vreg.scatter [tilespmem:s26], [sflag:$0x1], $0x80, v4, vm0, $0xb8;
	[tilespmem:$0xC100] =	vst v63  }
0x68: {  	_ = 	snop  }
0x69: {  	[hbm4b:s5+s2] =	stream.indirect_vreg.scatter [tilespmem:s28], [sflag:$0x1], $0x80, v4, vm0, $0xb8;
	[tilespmem:$0xC100] =	vst v63  }
0x6a: {  	_ = 	snop  }
0x6b: {  	[hbm4b:s3+s2] =	stream.indirect_vreg.scatter [tilespmem:s29], [sflag:$0x1], $0x80, v3, vm0, $0xb8;
	[tilespmem:$0xC100] =	vst v63  }
0x6c: {  	_ = 	snop  }
0x6d: {  	[hbm4b:s4+s2] =	stream.indirect_vreg.scatter [tilespmem:s30], [sflag:$0x1], $0x80, v3, vm0, $0xb8;
	[tilespmem:$0xC100] =	vst v63  }
0x6e: {  	_ = 	snop  }
0x6f: {  	[hbm4b:s5+s2] =	stream.indirect_vreg.scatter [tilespmem:s31], [sflag:$0x1], $0x80, v3, vm0, $0xb8;
	[tilespmem:$0xC100] =	vst v63  }
0x70: {  	v3 =	vld [tilespmem:$0xC080];
	_ =	sdelay $0x4  }
0x71: {  	v60 =	vshrl.u32 v3, $0x3  }
0x72: {  	v4 =	vmul.u32 $0x30, v60  }
0x73: {  	v3 =	vand.u32 $0x7, v3  }
0x74: {  	v3 =	vor.u32 v3, v4  }
0x75: {  	v4 =	vperm.xlane v3, v0;
	_ =	sdelay $0x1  }
0x76: {  	v4 =	vadd.s32 v1, v4;
	_ =	sdelay $0x3  }
0x77: {  	v3 =	vperm.xlane v3, v2  }
0x78: {  	[hbm4b:s3+s2] =	stream.indirect_vreg.scatter [tilespmem:s2], [sflag:$0x1], $0x80, v4, vm0, $0xb8;
	[tilespmem:$0xC100] =	vst v63  }
0x79: {  	v3 =	vadd.s32 v1, v3  }
0x7a: {  	[hbm4b:s4+s2] =	stream.indirect_vreg.scatter [tilespmem:s8], [sflag:$0x1], $0x80, v4, vm0, $0xb8;
	[tilespmem:$0xC100] =	vst v63  }
0x7b: {  	_ = 	snop  }
0x7c: {  	[hbm4b:s5+s2] =	stream.indirect_vreg.scatter [tilespmem:s9], [sflag:$0x1], $0x80, v4, vm0, $0xb8;
	[tilespmem:$0xC100] =	vst v63  }
0x7d: {  	_ = 	snop  }
0x7e: {  	[hbm4b:s3+s2] =	stream.indirect_vreg.scatter [tilespmem:s10], [sflag:$0x1], $0x80, v3, vm0, $0xb8;
	[tilespmem:$0xC100] =	vst v63  }
0x7f: {  	_ = 	snop  }
0x80: {  	[hbm4b:s4+s2] =	stream.indirect_vreg.scatter [tilespmem:s11], [sflag:$0x1], $0x80, v3, vm0, $0xb8;
	[tilespmem:$0xC100] =	vst v63  }
0x81: {  	_ = 	snop  }
0x82: {  	[hbm4b:s5+s2] =	stream.indirect_vreg.scatter [tilespmem:s12], [sflag:$0x1], $0x80, v3, vm0, $0xb8;
	[tilespmem:$0xC100] =	vst v63  }
0x83: {  	v3 =	vld [tilespmem:$0xC090];
	_ =	sdelay $0x4  }
0x84: {  	v61 =	vshrl.u32 v3, $0x3  }
0x85: {  	v4 =	vmul.u32 $0x30, v61  }
0x86: {  	v3 =	vand.u32 $0x7, v3  }
0x87: {  	v3 =	vor.u32 v3, v4  }
0x88: {  	v4 =	vperm.xlane v3, v0;
	_ =	sdelay $0x1  }
0x89: {  	v4 =	vadd.s32 v1, v4;
	_ =	sdelay $0x3  }
0x8a: {  	v3 =	vperm.xlane v3, v2  }
0x8b: {  	[hbm4b:s3+s2] =	stream.indirect_vreg.scatter [tilespmem:s13], [sflag:$0x1], $0x80, v4, vm0, $0xb8;
	[tilespmem:$0xC100] =	vst v63  }
0x8c: {  	v3 =	vadd.s32 v1, v3  }
0x8d: {  	[hbm4b:s4+s2] =	stream.indirect_vreg.scatter [tilespmem:s14], [sflag:$0x1], $0x80, v4, vm0, $0xb8;
	[tilespmem:$0xC100] =	vst v63  }
0x8e: {  	_ = 	snop  }
0x8f: {  	[hbm4b:s5+s2] =	stream.indirect_vreg.scatter [tilespmem:s15], [sflag:$0x1], $0x80, v4, vm0, $0xb8;
	[tilespmem:$0xC100] =	vst v63  }
0x90: {  	_ = 	snop  }
0x91: {  	[hbm4b:s3+s2] =	stream.indirect_vreg.scatter [tilespmem:s16], [sflag:$0x1], $0x80, v3, vm0, $0xb8;
	[tilespmem:$0xC100] =	vst v63  }
0x92: {  	_ = 	snop  }
0x93: {  	[hbm4b:s4+s2] =	stream.indirect_vreg.scatter [tilespmem:s17], [sflag:$0x1], $0x80, v3, vm0, $0xb8;
	[tilespmem:$0xC100] =	vst v63  }
0x94: {  	_ = 	snop  }
0x95: {  	[hbm4b:s5+s2] =	stream.indirect_vreg.scatter [tilespmem:s18], [sflag:$0x1], $0x80, v3, vm0, $0xb8;
	[tilespmem:$0xC100] =	vst v63  }
0x96: {  	v3 =	vld [tilespmem:$0xC0A0];
	_ =	sdelay $0x4  }
0x97: {  	v62 =	vshrl.u32 v3, $0x3  }
0x98: {  	v4 =	vmul.u32 $0x30, v62  }
0x99: {  	v3 =	vand.u32 $0x7, v3  }
0x9a: {  	v3 =	vor.u32 v3, v4  }
0x9b: {  	v4 =	vperm.xlane v3, v0;
	_ =	sdelay $0x1  }
0x9c: {  	v4 =	vadd.s32 v1, v4;
	_ =	sdelay $0x3  }
0x9d: {  	v3 =	vperm.xlane v3, v2  }
0x9e: {  	[hbm4b:s3+s2] =	stream.indirect_vreg.scatter [tilespmem:s19], [sflag:$0x1], $0x80, v4, vm0, $0xb8;
	[tilespmem:$0xC100] =	vst v63  }
0x9f: {  	v3 =	vadd.s32 v1, v3  }
0xa0: {  	[hbm4b:s4+s2] =	stream.indirect_vreg.scatter [tilespmem:s20], [sflag:$0x1], $0x80, v4, vm0, $0xb8;
	[tilespmem:$0xC100] =	vst v63  }
0xa1: {  	_ = 	snop  }
0xa2: {  	[hbm4b:s5+s2] =	stream.indirect_vreg.scatter [tilespmem:s21], [sflag:$0x1], $0x80, v4, vm0, $0xb8;
	[tilespmem:$0xC100] =	vst v63  }
0xa3: {  	_ = 	snop  }
0xa4: {  	[hbm4b:s3+s2] =	stream.indirect_vreg.scatter [tilespmem:s22], [sflag:$0x1], $0x80, v3, vm0, $0xb8;
	[tilespmem:$0xC100] =	vst v63  }
0xa5: {  	_ = 	snop  }
0xa6: {  	[hbm4b:s4+s2] =	stream.indirect_vreg.scatter [tilespmem:s23], [sflag:$0x1], $0x80, v3, vm0, $0xb8;
	[tilespmem:$0xC100] =	vst v63  }
0xa7: {  	_ = 	snop  }
0xa8: {  	[hbm4b:s5+s2] =	stream.indirect_vreg.scatter [tilespmem:s24], [sflag:$0x1], $0x80, v3, vm0, $0xb8;
	[tilespmem:$0xC100] =	vst v63  }
0xa9: {  	v3 =	vld [tilespmem:$0xC0B0];
	_ =	sdelay $0x4  }
0xaa: {  	v63 =	vshrl.u32 v3, $0x3  }
0xab: {  	v4 =	vmul.u32 $0x30, v63  }
0xac: {  	v3 =	vand.u32 $0x7, v3  }
0xad: {  	v3 =	vor.u32 v3, v4  }
0xae: {  	v4 =	vperm.xlane v3, v0;
	_ =	sdelay $0x1  }
0xaf: {  	v4 =	vadd.s32 v1, v4;
	_ =	sdelay $0x3  }
0xb0: {  	v3 =	vperm.xlane v3, v2  }
0xb1: {  	[hbm4b:s3+s2] =	stream.indirect_vreg.scatter [tilespmem:s25], [sflag:$0x1], $0x80, v4, vm0, $0xb8;
	[tilespmem:$0xC100] =	vst v63  }
0xb2: {  	v3 =	vadd.s32 v1, v3  }
0xb3: {  	[hbm4b:s4+s2] =	stream.indirect_vreg.scatter [tilespmem:s26], [sflag:$0x1], $0x80, v4, vm0, $0xb8;
	[tilespmem:$0xC100] =	vst v63  }
0xb4: {  	_ = 	snop  }
0xb5: {  	[hbm4b:s5+s2] =	stream.indirect_vreg.scatter [tilespmem:s28], [sflag:$0x1], $0x80, v4, vm0, $0xb8;
	[tilespmem:$0xC100] =	vst v63  }
0xb6: {  	_ = 	snop  }
0xb7: {  	[hbm4b:s3+s2] =	stream.indirect_vreg.scatter [tilespmem:s29], [sflag:$0x1], $0x80, v3, vm0, $0xb8;
	[tilespmem:$0xC100] =	vst v63  }
0xb8: {  	_ = 	snop  }
0xb9: {  	[hbm4b:s4+s2] =	stream.indirect_vreg.scatter [tilespmem:s30], [sflag:$0x1], $0x80, v3, vm0, $0xb8;
	[tilespmem:$0xC100] =	vst v63  }
0xba: {  	_ = 	snop  }
0xbb: {  	[hbm4b:s5+s2] =	stream.indirect_vreg.scatter [tilespmem:s31], [sflag:$0x1], $0x80, v3, vm0, $0xb8;
	[tilespmem:$0xC100] =	vst v63  }
0xbc: {  	p0 =	sne.s32 s6, $0x1;
	_ =	swait.ge [sflag:s0], $0xC000  }
.Ltmp0:
0xbd: {  	[sflag:s0] =	ssyncset.done $0x0;
	(pc) =	sbr.rel @p0 .LBB2_1-.Ltmp0, $4  }
0xbe: {  	[sflag:s0] =	ssyncadd.s32 $0xFFFF4000  }
0xbf: {  	_ =	swait.ge [sflag:s0], $0xC000  }
0xc0: {  	[sflag:s0] =	ssyncset.done $0x0  }
0xc1: {  	s6 =	sadd.s32 $0xFFFFFFFF, s6;
	[sflag:s0] =	ssyncadd.s32 $0xFFFF4000  }
0xc2: {  	_ =	sfence.sel $0x180000  }
0xc3: {  	[bflag:$0x0] =	sbarrier.arrive $0xFFFF  }
0xc4: {  	_ =	strace $0x90000047  }
0xc5: {  	s0 =	stileid.u32;
	[bflag:$0x2] =	sbarrier.arrive $0xFFFF  }
0xc6: {  	p0 =	sne.s32 s0, $0x0;
	s0 =	rddreg [dreg:$0x3]  }
0xc7: {  	s0 =	sadd.s32 @!p0 $0x100000, s0  }
0xc8: {  	[sflag:s0] =	ssyncadd.tile.s32 @!p0 $0x1;
	_ =	shalt  }
.Lfunc_end2:
_tile_overlayer_lowered:
.L_overlay_start_2:
0xc9: {  	(tag) =	ssettag $0x2  }
0xca: {  	s0 =	rddreg [dreg:$0x0];
	s2 =	stileid.u32  }
0xcb: {  	s1 =	rddreg [dreg:$0x1];
	p0 =	sne.s32 s2, $0x0  }
0xcc: {  	s3 =	rddreg [dreg:$0x2];
	[bflag:$0x3] =	sbarrier.arrive $0xFFFF;
	s2 =	simm.s32 @!p0 $0x1C02  }
0xcd: {  	[timem:s3], [sflag:s2] =	dma.local @!p0 [hbm:s0], s1  }
0xce: {  	s0 =	simm.s32 @!p0 $0x2  }
0xcf: {  	_ =	swait.ge @!p0 [sflag:s0], s1  }
0xd0: {  	s1 =	ssub.s32 @!p0 $0x0, s1;
	[sflag:s0] =	ssyncset.done @!p0 $0x0  }
0xd1: {  	[sflag:s0] =	ssyncadd.s32 @!p0 s1  }
0xd2: {  	[bflag:$0x3] =	sbarrier.arrive $0xFFFF  }
0xd3: {  	_ =	shalt  }

</sc_bundles>
